<compile_context>
chip_gen: v7x
topology: tpu7x:2x2x1
jax: 0.10.2.dev20260603
libtpu: 0.0.44.dev20260713+nightly
codegen_flags: <defaults>
</compile_context>

<pallas_src>
import jax
import jax.numpy as jnp
from jax import lax
from jax.experimental import pallas as pl
from jax.experimental.pallas import tpu as pltpu
from jax.experimental.pallas import tpu_sc as plsc

NC = 2
NS = 16
K = 128

F32 = jnp.float32


def _round_up(a, b):
    return (a + b - 1) // b * b




def _make_sc_layer(npad, epad, feat, compute_deg):
    sp = npad // NS
    q = epad // (NC * NS)
    ch = q // K
    ncc = feat // 16
    npieces = sp // K

    out_type = [jax.ShapeDtypeStruct((NC * npad, feat), F32)]
    if compute_deg:
        out_type.append(jax.ShapeDtypeStruct((NC * npad, feat), F32))

    scratch = [
        pltpu.VMEM((K,), jnp.int32),
        pltpu.VMEM((K,), jnp.int32),
        pltpu.VMEM((K,), jnp.int32),
        pltpu.VMEM((K,), jnp.int32),
        pltpu.VMEM((K, feat), F32),
        pltpu.VMEM((K, feat), F32),
        pltpu.VMEM((K,), jnp.int32),
        pltpu.VMEM_SHARED((npad, feat), F32),
        pltpu.SemaphoreType.DMA,
        pltpu.SemaphoreType.DMA,
        pltpu.SemaphoreType.DMA,
        pltpu.SemaphoreType.DMA,
        pltpu.SemaphoreType.DMA,
        pltpu.SemaphoreType.DMA,
    ]

    def body(y_hbm, src_hbm, dst_hbm, iota_hbm, *rest):
        if compute_deg:
            part_hbm, deg_out = rest[0], rest[1]
            scr = rest[2:]
        else:
            part_hbm = rest[0]
            scr = rest[1:]
        (src0, src1, dst0, dst1, rows0, rows1, stg_idx, acc_sh,
         isem0, isem1, gsem0, gsem1, ssem0, ssem1) = scr
        srcb = (src0, src1)
        dstb = (dst0, dst1)
        rowsb = (rows0, rows1)
        isem = (isem0, isem1)
        gsem = (gsem0, gsem1)
        ssem = (ssem0, ssem1)

        cid = lax.axis_index("c")
        sid = lax.axis_index("s")
        r0 = sid * sp
        abase = cid * (epad // NC) + sid * q

        def set_stg(pr0):
            pltpu.sync_copy(iota_hbm.at[pl.ds(pr0, K)], stg_idx)

        def zero_own_stripe():
            @pl.loop(0, npieces)
            def _(p):
                set_stg(r0 + p * K)
                pltpu.sync_copy(rows1, acc_sh.at[stg_idx])

        def readback(out_arr):
            @pl.loop(0, npieces)
            def _(p):
                pr0 = r0 + p * K
                set_stg(pr0)
                pltpu.sync_copy(acc_sh.at[stg_idx], rows0)
                pltpu.sync_copy(rows0,
                                out_arr.at[pl.ds(cid * npad + pr0, K)])

        zf = jnp.zeros((16,), F32)
        one = jnp.ones((16,), F32)

        @pl.loop(0, K)
        def _(r):
            for cc in range(ncc):
                rows1[r, pl.ds(cc * 16, 16)] = zf
            if compute_deg:
                for cc in range(ncc):
                    rows0[r, pl.ds(cc * 16, 16)] = one

        with jax.named_scope("ph_zero"):
            zero_own_stripe()
        plsc.subcore_barrier()

        if compute_deg:
            with jax.named_scope("ph_deg"):
                @pl.loop(0, ch)
                def _(j):
                    e0 = abase + j * K
                    pltpu.sync_copy(dst_hbm.at[pl.ds(e0, K)], dst0)
                    pltpu.sync_copy(rows0, acc_sh.at[dst0], add=True)

            plsc.subcore_barrier()
            with jax.named_scope("ph_degrb"):
                readback(deg_out)
            plsc.subcore_barrier()
            with jax.named_scope("ph_rezero"):
                zero_own_stripe()
            plsc.subcore_barrier()

        def stage_idx(c, b):
            e0 = abase + c * K
            pltpu.async_copy(src_hbm.at[pl.ds(e0, K)], srcb[b], isem[b])
            pltpu.async_copy(dst_hbm.at[pl.ds(e0, K)], dstb[b], isem[b])

        def wait_idx(b):
            pltpu.make_async_copy(src_hbm.at[pl.ds(0, K)], srcb[b],
                                  isem[b]).wait()
            pltpu.make_async_copy(dst_hbm.at[pl.ds(0, K)], dstb[b],
                                  isem[b]).wait()

        def start_gather(b):
            pltpu.async_copy(y_hbm.at[srcb[b]], rowsb[b], gsem[b])

        def wait_gather(b):
            pltpu.make_async_copy(y_hbm.at[srcb[b]], rowsb[b],
                                  gsem[b]).wait()

        def start_scatter(b):
            pltpu.async_copy(rowsb[b], acc_sh.at[dstb[b]], ssem[b],
                             add=True)

        def wait_scatter(b):
            pltpu.make_async_copy(rowsb[b], acc_sh.at[dstb[b]],
                                  ssem[b]).wait()

        with jax.named_scope("ph_agg"):
            pltpu.sync_copy(src_hbm.at[pl.ds(abase, K)], src0)
            pltpu.sync_copy(dst_hbm.at[pl.ds(abase, K)], dst0)
            pltpu.async_copy(y_hbm.at[src0], rows0, gsem0)

            @pl.loop(0, ch // 2)
            def _(g):
                c0 = abase + (2 * g) * K
                c1 = c0 + K
                c2 = jnp.where(2 * g + 2 < ch, c0 + 2 * K, abase)
                pltpu.sync_copy(src_hbm.at[pl.ds(c1, K)], src1)
                pltpu.sync_copy(dst_hbm.at[pl.ds(c1, K)], dst1)
                pltpu.make_async_copy(y_hbm.at[src0], rows0, gsem0).wait()
                pltpu.async_copy(y_hbm.at[src1], rows1, gsem1)
                pltpu.sync_copy(rows0, acc_sh.at[dst0], add=True)
                pltpu.sync_copy(src_hbm.at[pl.ds(c2, K)], src0)
                pltpu.sync_copy(dst_hbm.at[pl.ds(c2, K)], dst0)
                pltpu.async_copy(y_hbm.at[src0], rows0, gsem0)
                pltpu.make_async_copy(y_hbm.at[src1], rows1, gsem1).wait()
                pltpu.sync_copy(rows1, acc_sh.at[dst1], add=True)

            pltpu.make_async_copy(y_hbm.at[src0], rows0, gsem0).wait()

        plsc.subcore_barrier()

        with jax.named_scope("ph_partrb"):
            readback(part_hbm)

    mesh = plsc.VectorSubcoreMesh(core_axis_name="c", subcore_axis_name="s")
    return pl.kernel(body, out_type=out_type, mesh=mesh,
                     scratch_types=scratch)



_RB = 1280


def _dot(a, b):
    return jnp.dot(a, b, preferred_element_type=F32,
                   precision=lax.Precision.HIGHEST)


def _tc_lin2(x, wl, wr, b, npad, feat):
    def body(x_ref, wl_ref, wr_ref, b_ref, y_ref, xr_ref):
        xb = x_ref[...]
        y_ref[...] = _dot(xb, wl_ref[...])
        xr_ref[...] = _dot(xb, wr_ref[...]) + b_ref[...]

    w_spec = pl.BlockSpec((feat, feat), lambda i: (0, 0))
    r_spec = pl.BlockSpec((_RB, feat), lambda i: (i, 0))
    return pl.pallas_call(
        body,
        grid=(npad // _RB,),
        in_specs=[r_spec, w_spec, w_spec,
                  pl.BlockSpec((1, feat), lambda i: (0, 0))],
        out_specs=[r_spec, r_spec],
        out_shape=[jax.ShapeDtypeStruct((npad, feat), F32)] * 2,
    )(x, wl, wr, b)


def _tc_mid(p0, p1, xr, d0, d1, wl, wr, b, npad, feat):
    def body(p0_ref, p1_ref, xr_ref, d0_ref, d1_ref, wl_ref, wr_ref, b_ref,
             y_ref, hr_ref):
        scale = 1.0 / jnp.maximum(d0_ref[...][:, :1] + d1_ref[...][:, :1],
                                  1.0)
        h = jnp.maximum((p0_ref[...] + p1_ref[...]) * scale + xr_ref[...],
                        0.0)
        y_ref[...] = _dot(h, wl_ref[...])
        hr_ref[...] = _dot(h, wr_ref[...]) + b_ref[...]

    w_spec = pl.BlockSpec((feat, feat), lambda i: (0, 0))
    r_spec = pl.BlockSpec((_RB, feat), lambda i: (i, 0))
    return pl.pallas_call(
        body,
        grid=(npad // _RB,),
        in_specs=[r_spec, r_spec, r_spec, r_spec, r_spec, w_spec, w_spec,
                  pl.BlockSpec((1, feat), lambda i: (0, 0))],
        out_specs=[r_spec, r_spec],
        out_shape=[jax.ShapeDtypeStruct((npad, feat), F32)] * 2,
    )(p0, p1, xr, d0, d1, wl, wr, b)


def _tc_out(p0, p1, hr, d0, d1, w3, b3, npad, feat, o):
    def body(p0_ref, p1_ref, hr_ref, d0_ref, d1_ref, w_ref, b_ref, o_ref):
        scale = 1.0 / jnp.maximum(d0_ref[...][:, :1] + d1_ref[...][:, :1],
                                  1.0)
        h = jnp.maximum((p0_ref[...] + p1_ref[...]) * scale + hr_ref[...],
                        0.0)
        o_ref[...] = _dot(h, w_ref[...]) + b_ref[...]

    r_spec = pl.BlockSpec((_RB, feat), lambda i: (i, 0))
    return pl.pallas_call(
        body,
        grid=(npad // _RB,),
        in_specs=[r_spec, r_spec, r_spec, r_spec, r_spec,
                  pl.BlockSpec((feat, o), lambda i: (0, 0)),
                  pl.BlockSpec((1, o), lambda i: (0, 0))],
        out_specs=pl.BlockSpec((_RB, o), lambda i: (i, 0)),
        out_shape=jax.ShapeDtypeStruct((npad, o), F32),
    )(p0, p1, hr, d0, d1, w3, b3)




@jax.jit
def kernel(x, edge_index, W_l1, b_l1, W_r1, W_l2, b_l2, W_r2, W3, b3):
    n, d = x.shape
    e = edge_index.shape[1]
    h = W_l1.shape[1]
    o = W3.shape[1]

    npad = _round_up(n + 1, NS * K)
    epad = _round_up(e, NC * NS * K * 2)

    x_pad = jnp.zeros((npad, d), F32).at[:n].set(x)
    pad_e = epad - e
    junk = n + jnp.arange(pad_e, dtype=jnp.int32) % (npad - n)
    src = jnp.concatenate([edge_index[0], junk])
    dst = jnp.concatenate([edge_index[1], junk])

    sc1 = _make_sc_layer(npad, epad, h, True)
    sc2 = _make_sc_layer(npad, epad, h, False)

    y1, xr1 = _tc_lin2(x_pad, W_l1, W_r1, b_l1.reshape(1, -1), npad, d)
    iota = jnp.arange(npad, dtype=jnp.int32)
    part1, deg = sc1(y1, src, dst, iota)
    y2, hr2 = _tc_mid(part1[:npad], part1[npad:], xr1,
                      deg[:npad], deg[npad:],
                      W_l2, W_r2, b_l2.reshape(1, -1), npad, h)
    part2 = sc2(y2, src, dst, iota)
    if isinstance(part2, (list, tuple)):
        part2 = part2[0]
    out = _tc_out(part2[:npad], part2[npad:], hr2,
                  deg[:npad], deg[npad:],
                  W3, b3.reshape(1, -1), npad, h, o)
    return out[:n]

# --- scband reference (transcript-rebuilt; emitter-appended) ---
"""Pipeline reference for scband-graph-sage-61065845015011 (READ-ONLY COPY).

The authoritative reference and input builder live on the scoring server;
editing this copy changes nothing except your own understanding.
"""

import jax, jax.numpy as jnp
import numpy as np

N = 10000
E = 320000
D = 128
H = 128
O = 128


def setup_inputs(seed: int = 0) -> dict:
    key = jax.random.key(seed)
    ks = jax.random.split(key, 12)
    x = jax.random.normal(ks[0], (N, D), dtype=jnp.float32)
    edge_index = jax.random.randint(ks[1], (2, E), 0, N, dtype=jnp.int32)
    s1 = 1.0 / np.sqrt(D)
    s2 = 1.0 / np.sqrt(H)
    W_l1 = jax.random.uniform(ks[2], (D, H), jnp.float32, -s1, s1)
    b_l1 = jax.random.uniform(ks[3], (H,), jnp.float32, -s1, s1)
    W_r1 = jax.random.uniform(ks[4], (D, H), jnp.float32, -s1, s1)
    W_l2 = jax.random.uniform(ks[5], (H, H), jnp.float32, -s2, s2)
    b_l2 = jax.random.uniform(ks[6], (H,), jnp.float32, -s2, s2)
    W_r2 = jax.random.uniform(ks[7], (H, H), jnp.float32, -s2, s2)
    W3 = jax.random.uniform(ks[8], (H, O), jnp.float32, -s2, s2)
    b3 = jax.random.uniform(ks[9], (O,), jnp.float32, -s2, s2)
    return {"x": x, "edge_index": edge_index, "W_l1": W_l1, "b_l1": b_l1,
            "W_r1": W_r1, "W_l2": W_l2, "b_l2": b_l2, "W_r2": W_r2,
            "W3": W3, "b3": b3}


def _sage_conv(x, edge_index, W_l, b_l, W_r):
    # SAGEConv with mean aggregation:
    # out = lin_l(mean_{j in N(i)} x_j) + lin_r(x_i)
    src = edge_index[0]
    dst = edge_index[1]
    msgs = jnp.take(x, src, axis=0)  # gather source node features per edge
    agg = jax.ops.segment_sum(msgs, dst, num_segments=N)
    deg = jax.ops.segment_sum(jnp.ones((msgs.shape[0],), x.dtype), dst, num_segments=N)
    agg = agg / jnp.maximum(deg, 1.0)[:, None]
    return agg @ W_l + b_l + x @ W_r


def reference(x, edge_index, W_l1, b_l1, W_r1, W_l2, b_l2, W_r2, W3, b3):
    h = _sage_conv(x, edge_index, W_l1, b_l1, W_r1)
    h = jax.nn.relu(h)
    # dropout is identity in eval mode (training=False)
    h = _sage_conv(h, edge_index, W_l2, b_l2, W_r2)
    h = jax.nn.relu(h)
    out = h @ W3 + b3
    return out

if __name__ == "__main__":
    import jax
    _d = setup_inputs()
    print(jax.jit(kernel)(*tuple(_d.values())))

</pallas_src>

<mosaic_0001>
#map = affine_map<(d0, d1) -> (0, 0)>
#map1 = affine_map<(d0, d1) -> (0)>
module attributes {stable_mosaic.version = 14 : i64} {
  func.func @body(%arg0: i32, %arg1: i32, %arg2: memref<10240x128xf32, #tpu.memory_space<hbm>>, %arg3: memref<327680xi32, #tpu.memory_space<hbm>>, %arg4: memref<327680xi32, #tpu.memory_space<hbm>>, %arg5: memref<10240xi32, #tpu.memory_space<hbm>>, %arg6: memref<20480x128xf32, #tpu.memory_space<hbm>>, %arg7: memref<20480x128xf32, #tpu.memory_space<hbm>>, %arg8: memref<128xi32, #tpu.memory_space<vmem>>, %arg9: memref<128xi32, #tpu.memory_space<vmem>>, %arg10: memref<128xi32, #tpu.memory_space<vmem>>, %arg11: memref<128xi32, #tpu.memory_space<vmem>>, %arg12: memref<128x128xf32, #tpu.memory_space<vmem>>, %arg13: memref<128x128xf32, #tpu.memory_space<vmem>>, %arg14: memref<128xi32, #tpu.memory_space<vmem>>, %arg15: memref<10240x128xf32, #tpu.memory_space<vmem_shared>>, %arg16: memref<!tpu.dma_semaphore, #tpu.memory_space<semaphore_mem>>, %arg17: memref<!tpu.dma_semaphore, #tpu.memory_space<semaphore_mem>>, %arg18: memref<!tpu.dma_semaphore, #tpu.memory_space<semaphore_mem>>, %arg19: memref<!tpu.dma_semaphore, #tpu.memory_space<semaphore_mem>>, %arg20: memref<!tpu.dma_semaphore, #tpu.memory_space<semaphore_mem>>, %arg21: memref<!tpu.dma_semaphore, #tpu.memory_space<semaphore_mem>>) attributes {dimension_semantics = [#tpu.dimension_semantics<core_parallel>, #tpu.dimension_semantics<subcore_parallel>], iteration_bounds = array<i64: 2, 16>, scalar_prefetch = 0 : i64, scratch_operands = 14 : i64, tpu.core_type = #tpu.core_type<sc_vector_subcore>, window_params = [{transform_indices = #map}, {transform_indices = #map1}, {transform_indices = #map1}, {transform_indices = #map1}, {transform_indices = #map}, {transform_indices = #map}]} {
    %mul3A = arith.constant 640 : i32
    %mul3A_0 = arith.muli %arg1, %mul3A : i32
    %mul3A_1 = arith.constant 163840 : i32
    %mul3A_2 = arith.muli %arg0, %mul3A_1 : i32
    %mul3A_3 = arith.constant 10240 : i32
    %mul3A_4 = arith.muli %arg1, %mul3A_3 : i32
    %add3A = arith.addi %mul3A_2, %mul3A_4 : i32
    %broadcast_in_dim3A = arith.constant 0.000000e+00 : f32
    %broadcast_in_dim3A_5 = vector.broadcast %broadcast_in_dim3A : f32 to vector<16xf32>
    %broadcast_in_dim3A_6 = arith.constant 1.000000e+00 : f32
    %broadcast_in_dim3A_7 = vector.broadcast %broadcast_in_dim3A_6 : f32 to vector<16xf32>
    %scan3A = arith.constant 0 : i32
    %scan3A_8 = arith.constant 128 : i32
    %scan3A_9 = arith.addi %scan3A, %scan3A_8 : i32
    %scan3A_10 = arith.constant 1 : i32
    scf.for %scan3A_50 = %scan3A to %scan3A_9 step %scan3A_10  : i32 {
      %mul3A_51 = arith.constant 1 : i32
      %mul3A_52 = arith.muli %scan3A_50, %mul3A_51 : i32
      %add3A_53 = arith.constant 0 : i32
      %add3A_54 = arith.addi %add3A_53, %mul3A_52 : i32
      %swap3A = arith.index_cast %add3A_54 : i32 to index
      %swap3A_55 = arith.constant 0 : index
      %swap3A_56 = tpu.vector_load %arg13[%swap3A, %swap3A_55] {strides = array<i32>} : memref<128x128xf32, #tpu.memory_space<vmem>>, vector<1x16xf32>,
      %swap3A_57 = vector.shape_cast %swap3A_56 : vector<1x16xf32> to vector<16xf32>
      %swap3A_58 = vector.shape_cast %broadcast_in_dim3A_5 : vector<16xf32> to vector<1x16xf32>
      tpu.vector_store %arg13[%swap3A, %swap3A_55], %swap3A_58 {strides = array<i32>} : memref<128x128xf32, #tpu.memory_space<vmem>>, vector<1x16xf32>,
      %swap3A_59 = arith.index_cast %add3A_54 : i32 to index
      %swap3A_60 = arith.constant 16 : index
      %swap3A_61 = tpu.vector_load %arg13[%swap3A_59, %swap3A_60] {strides = array<i32>} : memref<128x128xf32, #tpu.memory_space<vmem>>, vector<1x16xf32>,
      %swap3A_62 = vector.shape_cast %swap3A_61 : vector<1x16xf32> to vector<16xf32>
      %swap3A_63 = vector.shape_cast %broadcast_in_dim3A_5 : vector<16xf32> to vector<1x16xf32>
      tpu.vector_store %arg13[%swap3A_59, %swap3A_60], %swap3A_63 {strides = array<i32>} : memref<128x128xf32, #tpu.memory_space<vmem>>, vector<1x16xf32>,
      %swap3A_64 = arith.index_cast %add3A_54 : i32 to index
      %swap3A_65 = arith.constant 32 : index
      %swap3A_66 = tpu.vector_load %arg13[%swap3A_64, %swap3A_65] {strides = array<i32>} : memref<128x128xf32, #tpu.memory_space<vmem>>, vector<1x16xf32>,
      %swap3A_67 = vector.shape_cast %swap3A_66 : vector<1x16xf32> to vector<16xf32>
      %swap3A_68 = vector.shape_cast %broadcast_in_dim3A_5 : vector<16xf32> to vector<1x16xf32>
      tpu.vector_store %arg13[%swap3A_64, %swap3A_65], %swap3A_68 {strides = array<i32>} : memref<128x128xf32, #tpu.memory_space<vmem>>, vector<1x16xf32>,
      %swap3A_69 = arith.index_cast %add3A_54 : i32 to index
      %swap3A_70 = arith.constant 48 : index
      %swap3A_71 = tpu.vector_load %arg13[%swap3A_69, %swap3A_70] {strides = array<i32>} : memref<128x128xf32, #tpu.memory_space<vmem>>, vector<1x16xf32>,
      %swap3A_72 = vector.shape_cast %swap3A_71 : vector<1x16xf32> to vector<16xf32>
      %swap3A_73 = vector.shape_cast %broadcast_in_dim3A_5 : vector<16xf32> to vector<1x16xf32>
      tpu.vector_store %arg13[%swap3A_69, %swap3A_70], %swap3A_73 {strides = array<i32>} : memref<128x128xf32, #tpu.memory_space<vmem>>, vector<1x16xf32>,
      %swap3A_74 = arith.index_cast %add3A_54 : i32 to index
      %swap3A_75 = arith.constant 64 : index
      %swap3A_76 = tpu.vector_load %arg13[%swap3A_74, %swap3A_75] {strides = array<i32>} : memref<128x128xf32, #tpu.memory_space<vmem>>, vector<1x16xf32>,
      %swap3A_77 = vector.shape_cast %swap3A_76 : vector<1x16xf32> to vector<16xf32>
      %swap3A_78 = vector.shape_cast %broadcast_in_dim3A_5 : vector<16xf32> to vector<1x16xf32>
      tpu.vector_store %arg13[%swap3A_74, %swap3A_75], %swap3A_78 {strides = array<i32>} : memref<128x128xf32, #tpu.memory_space<vmem>>, vector<1x16xf32>,
      %swap3A_79 = arith.index_cast %add3A_54 : i32 to index
      %swap3A_80 = arith.constant 80 : index
      %swap3A_81 = tpu.vector_load %arg13[%swap3A_79, %swap3A_80] {strides = array<i32>} : memref<128x128xf32, #tpu.memory_space<vmem>>, vector<1x16xf32>,
      %swap3A_82 = vector.shape_cast %swap3A_81 : vector<1x16xf32> to vector<16xf32>
      %swap3A_83 = vector.shape_cast %broadcast_in_dim3A_5 : vector<16xf32> to vector<1x16xf32>
      tpu.vector_store %arg13[%swap3A_79, %swap3A_80], %swap3A_83 {strides = array<i32>} : memref<128x128xf32, #tpu.memory_space<vmem>>, vector<1x16xf32>,
      %swap3A_84 = arith.index_cast %add3A_54 : i32 to index
      %swap3A_85 = arith.constant 96 : index
      %swap3A_86 = tpu.vector_load %arg13[%swap3A_84, %swap3A_85] {strides = array<i32>} : memref<128x128xf32, #tpu.memory_space<vmem>>, vector<1x16xf32>,
      %swap3A_87 = vector.shape_cast %swap3A_86 : vector<1x16xf32> to vector<16xf32>
      %swap3A_88 = vector.shape_cast %broadcast_in_dim3A_5 : vector<16xf32> to vector<1x16xf32>
      tpu.vector_store %arg13[%swap3A_84, %swap3A_85], %swap3A_88 {strides = array<i32>} : memref<128x128xf32, #tpu.memory_space<vmem>>, vector<1x16xf32>,
      %swap3A_89 = arith.index_cast %add3A_54 : i32 to index
      %swap3A_90 = arith.constant 112 : index
      %swap3A_91 = tpu.vector_load %arg13[%swap3A_89, %swap3A_90] {strides = array<i32>} : memref<128x128xf32, #tpu.memory_space<vmem>>, vector<1x16xf32>,
      %swap3A_92 = vector.shape_cast %swap3A_91 : vector<1x16xf32> to vector<16xf32>
      %swap3A_93 = vector.shape_cast %broadcast_in_dim3A_5 : vector<16xf32> to vector<1x16xf32>
      tpu.vector_store %arg13[%swap3A_89, %swap3A_90], %swap3A_93 {strides = array<i32>} : memref<128x128xf32, #tpu.memory_space<vmem>>, vector<1x16xf32>,
      %swap3A_94 = arith.index_cast %add3A_54 : i32 to index
      %swap3A_95 = arith.constant 0 : index
      %swap3A_96 = tpu.vector_load %arg12[%swap3A_94, %swap3A_95] {strides = array<i32>} : memref<128x128xf32, #tpu.memory_space<vmem>>, vector<1x16xf32>,
      %swap3A_97 = vector.shape_cast %swap3A_96 : vector<1x16xf32> to vector<16xf32>
      %swap3A_98 = vector.shape_cast %broadcast_in_dim3A_7 : vector<16xf32> to vector<1x16xf32>
      tpu.vector_store %arg12[%swap3A_94, %swap3A_95], %swap3A_98 {strides = array<i32>} : memref<128x128xf32, #tpu.memory_space<vmem>>, vector<1x16xf32>,
      %swap3A_99 = arith.index_cast %add3A_54 : i32 to index
      %swap3A_100 = arith.constant 16 : index
      %swap3A_101 = tpu.vector_load %arg12[%swap3A_99, %swap3A_100] {strides = array<i32>} : memref<128x128xf32, #tpu.memory_space<vmem>>, vector<1x16xf32>,
      %swap3A_102 = vector.shape_cast %swap3A_101 : vector<1x16xf32> to vector<16xf32>
      %swap3A_103 = vector.shape_cast %broadcast_in_dim3A_7 : vector<16xf32> to vector<1x16xf32>
      tpu.vector_store %arg12[%swap3A_99, %swap3A_100], %swap3A_103 {strides = array<i32>} : memref<128x128xf32, #tpu.memory_space<vmem>>, vector<1x16xf32>,
      %swap3A_104 = arith.index_cast %add3A_54 : i32 to index
      %swap3A_105 = arith.constant 32 : index
      %swap3A_106 = tpu.vector_load %arg12[%swap3A_104, %swap3A_105] {strides = array<i32>} : memref<128x128xf32, #tpu.memory_space<vmem>>, vector<1x16xf32>,
      %swap3A_107 = vector.shape_cast %swap3A_106 : vector<1x16xf32> to vector<16xf32>
      %swap3A_108 = vector.shape_cast %broadcast_in_dim3A_7 : vector<16xf32> to vector<1x16xf32>
      tpu.vector_store %arg12[%swap3A_104, %swap3A_105], %swap3A_108 {strides = array<i32>} : memref<128x128xf32, #tpu.memory_space<vmem>>, vector<1x16xf32>,
      %swap3A_109 = arith.index_cast %add3A_54 : i32 to index
      %swap3A_110 = arith.constant 48 : index
      %swap3A_111 = tpu.vector_load %arg12[%swap3A_109, %swap3A_110] {strides = array<i32>} : memref<128x128xf32, #tpu.memory_space<vmem>>, vector<1x16xf32>,
      %swap3A_112 = vector.shape_cast %swap3A_111 : vector<1x16xf32> to vector<16xf32>
      %swap3A_113 = vector.shape_cast %broadcast_in_dim3A_7 : vector<16xf32> to vector<1x16xf32>
      tpu.vector_store %arg12[%swap3A_109, %swap3A_110], %swap3A_113 {strides = array<i32>} : memref<128x128xf32, #tpu.memory_space<vmem>>, vector<1x16xf32>,
      %swap3A_114 = arith.index_cast %add3A_54 : i32 to index
      %swap3A_115 = arith.constant 64 : index
      %swap3A_116 = tpu.vector_load %arg12[%swap3A_114, %swap3A_115] {strides = array<i32>} : memref<128x128xf32, #tpu.memory_space<vmem>>, vector<1x16xf32>,
      %swap3A_117 = vector.shape_cast %swap3A_116 : vector<1x16xf32> to vector<16xf32>
      %swap3A_118 = vector.shape_cast %broadcast_in_dim3A_7 : vector<16xf32> to vector<1x16xf32>
      tpu.vector_store %arg12[%swap3A_114, %swap3A_115], %swap3A_118 {strides = array<i32>} : memref<128x128xf32, #tpu.memory_space<vmem>>, vector<1x16xf32>,
      %swap3A_119 = arith.index_cast %add3A_54 : i32 to index
      %swap3A_120 = arith.constant 80 : index
      %swap3A_121 = tpu.vector_load %arg12[%swap3A_119, %swap3A_120] {strides = array<i32>} : memref<128x128xf32, #tpu.memory_space<vmem>>, vector<1x16xf32>,
      %swap3A_122 = vector.shape_cast %swap3A_121 : vector<1x16xf32> to vector<16xf32>
      %swap3A_123 = vector.shape_cast %broadcast_in_dim3A_7 : vector<16xf32> to vector<1x16xf32>
      tpu.vector_store %arg12[%swap3A_119, %swap3A_120], %swap3A_123 {strides = array<i32>} : memref<128x128xf32, #tpu.memory_space<vmem>>, vector<1x16xf32>,
      %swap3A_124 = arith.index_cast %add3A_54 : i32 to index
      %swap3A_125 = arith.constant 96 : index
      %swap3A_126 = tpu.vector_load %arg12[%swap3A_124, %swap3A_125] {strides = array<i32>} : memref<128x128xf32, #tpu.memory_space<vmem>>, vector<1x16xf32>,
      %swap3A_127 = vector.shape_cast %swap3A_126 : vector<1x16xf32> to vector<16xf32>
      %swap3A_128 = vector.shape_cast %broadcast_in_dim3A_7 : vector<16xf32> to vector<1x16xf32>
      tpu.vector_store %arg12[%swap3A_124, %swap3A_125], %swap3A_128 {strides = array<i32>} : memref<128x128xf32, #tpu.memory_space<vmem>>, vector<1x16xf32>,
      %swap3A_129 = arith.index_cast %add3A_54 : i32 to index
      %swap3A_130 = arith.constant 112 : index
      %swap3A_131 = tpu.vector_load %arg12[%swap3A_129, %swap3A_130] {strides = array<i32>} : memref<128x128xf32, #tpu.memory_space<vmem>>, vector<1x16xf32>,
      %swap3A_132 = vector.shape_cast %swap3A_131 : vector<1x16xf32> to vector<16xf32>
      %swap3A_133 = vector.shape_cast %broadcast_in_dim3A_7 : vector<16xf32> to vector<1x16xf32>
      tpu.vector_store %arg12[%swap3A_129, %swap3A_130], %swap3A_133 {strides = array<i32>} : memref<128x128xf32, #tpu.memory_space<vmem>>, vector<1x16xf32>,
    }
    %scan3A_11 = arith.constant 128 : i32
    "tpu.trace_start"() <{level = 10 : i32, message = "ph_zero"}> : () -> ()
    %scan3A_12 = arith.constant 0 : i32
    %scan3A_13 = arith.constant 5 : i32
    %scan3A_14 = arith.addi %scan3A_12, %scan3A_13 : i32
    %scan3A_15 = arith.constant 1 : i32
    scf.for %scan3A_50 = %scan3A_12 to %scan3A_14 step %scan3A_15  : i32 {
      %mul3A_51 = arith.constant 1 : i32
      %mul3A_52 = arith.muli %scan3A_50, %mul3A_51 : i32
      %add3A_53 = arith.constant 0 : i32
      %add3A_54 = arith.addi %add3A_53, %mul3A_52 : i32
      %mul3A_55 = arith.constant 128 : i32
      %mul3A_56 = arith.muli %add3A_54, %mul3A_55 : i32
      %add3A_57 = arith.addi %mul3A_0, %mul3A_56 : i32
      "tpu.region"() ({
        %run_scoped3A = tpu.sem_alloc : memref<!tpu.dma_semaphore, #tpu.memory_space<semaphore_mem>>
        %dma_start3A_58 = tpu.memref_slice %arg5[%add3A_57] : memref<10240xi32, #tpu.memory_space<hbm>> -> memref<128xi32, #tpu.memory_space<hbm>>
        %dma_start3A_59 = tpu.memref_slice %arg5[%add3A_57] : memref<10240xi32, #tpu.memory_space<hbm>> -> memref<128xi32, #tpu.memory_space<hbm>>
        tpu.enqueue_dma source(%dma_start3A_59 : memref<128xi32, #tpu.memory_space<hbm>>) target(%arg14 : memref<128xi32, #tpu.memory_space<vmem>>) target_semaphore(%run_scoped3A : memref<!tpu.dma_semaphore, #tpu.memory_space<semaphore_mem>>)
        %dma_wait3A_60 = tpu.memref_slice %arg5[%add3A_57] : memref<10240xi32, #tpu.memory_space<hbm>> -> memref<128xi32, #tpu.memory_space<hbm>>
        %dma_wait3A_61 = tpu.memref_slice %arg5[%add3A_57] : memref<10240xi32, #tpu.memory_space<hbm>> -> memref<128xi32, #tpu.memory_space<hbm>>
        tpu.wait_dma2 semaphore(%run_scoped3A : memref<!tpu.dma_semaphore, #tpu.memory_space<semaphore_mem>>) src(%dma_wait3A_61 : memref<128xi32, #tpu.memory_space<hbm>>) dst(%arg14 : memref<128xi32, #tpu.memory_space<vmem>>)
        tpu.yield
      }) : () -> ()
      "tpu.region"() ({
        %run_scoped3A = tpu.sem_alloc : memref<!tpu.dma_semaphore, #tpu.memory_space<semaphore_mem>>
        %dma_start3A_58 = arith.constant 0 : i32
        %dma_start3A_59 = arith.constant 0 : i32
        %dma_start3A_60 = tpu.memref_slice %arg15[%dma_start3A_58, %dma_start3A_59] : memref<10240x128xf32, #tpu.memory_space<vmem_shared>> -> memref<10240x128xf32, #tpu.memory_space<vmem_shared>>
        tpu.enqueue_indirect_dma source(%arg13 : memref<128x128xf32, #tpu.memory_space<vmem>>) target(%dma_start3A_60 : memref<10240x128xf32, #tpu.memory_space<vmem_shared>>) offsets(%arg14 : memref<128xi32, #tpu.memory_space<vmem>>) semaphore(%run_scoped3A : memref<!tpu.dma_semaphore, #tpu.memory_space<semaphore_mem>>)
        %dma_wait3A_61 = arith.constant 0 : i32
        %dma_wait3A_62 = arith.constant 0 : i32
        %dma_wait3A_63 = tpu.memref_slice %arg15[%dma_wait3A_61, %dma_wait3A_62] : memref<10240x128xf32, #tpu.memory_space<vmem_shared>> -> memref<10240x128xf32, #tpu.memory_space<vmem_shared>>
        tpu.wait_indirect_dma semaphore(%run_scoped3A : memref<!tpu.dma_semaphore, #tpu.memory_space<semaphore_mem>>) src(%arg13 : memref<128x128xf32, #tpu.memory_space<vmem>>) dst(%dma_wait3A_63 : memref<10240x128xf32, #tpu.memory_space<vmem_shared>>)
        tpu.yield
      }) : () -> ()
    }
    %scan3A_16 = arith.constant 5 : i32
    "tpu.trace_stop"() : () -> ()
    %barrier3A = arith.constant 0 : index
    tpu.barrier barrier_id(%barrier3A)
    "tpu.trace_start"() <{level = 10 : i32, message = "ph_deg"}> : () -> ()
    %scan3A_17 = arith.constant 0 : i32
    %scan3A_18 = arith.constant 80 : i32
    %scan3A_19 = arith.addi %scan3A_17, %scan3A_18 : i32
    %scan3A_20 = arith.constant 1 : i32
    scf.for %scan3A_50 = %scan3A_17 to %scan3A_19 step %scan3A_20  : i32 {
      %mul3A_51 = arith.constant 1 : i32
      %mul3A_52 = arith.muli %scan3A_50, %mul3A_51 : i32
      %add3A_53 = arith.constant 0 : i32
      %add3A_54 = arith.addi %add3A_53, %mul3A_52 : i32
      %mul3A_55 = arith.constant 128 : i32
      %mul3A_56 = arith.muli %add3A_54, %mul3A_55 : i32
      %add3A_57 = arith.addi %add3A, %mul3A_56 : i32
      "tpu.region"() ({
        %run_scoped3A = tpu.sem_alloc : memref<!tpu.dma_semaphore, #tpu.memory_space<semaphore_mem>>
        %dma_start3A_58 = tpu.memref_slice %arg4[%add3A_57] : memref<327680xi32, #tpu.memory_space<hbm>> -> memref<128xi32, #tpu.memory_space<hbm>>
        %dma_start3A_59 = tpu.memref_slice %arg4[%add3A_57] : memref<327680xi32, #tpu.memory_space<hbm>> -> memref<128xi32, #tpu.memory_space<hbm>>
        tpu.enqueue_dma source(%dma_start3A_59 : memref<128xi32, #tpu.memory_space<hbm>>) target(%arg10 : memref<128xi32, #tpu.memory_space<vmem>>) target_semaphore(%run_scoped3A : memref<!tpu.dma_semaphore, #tpu.memory_space<semaphore_mem>>)
        %dma_wait3A_60 = tpu.memref_slice %arg4[%add3A_57] : memref<327680xi32, #tpu.memory_space<hbm>> -> memref<128xi32, #tpu.memory_space<hbm>>
        %dma_wait3A_61 = tpu.memref_slice %arg4[%add3A_57] : memref<327680xi32, #tpu.memory_space<hbm>> -> memref<128xi32, #tpu.memory_space<hbm>>
        tpu.wait_dma2 semaphore(%run_scoped3A : memref<!tpu.dma_semaphore, #tpu.memory_space<semaphore_mem>>) src(%dma_wait3A_61 : memref<128xi32, #tpu.memory_space<hbm>>) dst(%arg10 : memref<128xi32, #tpu.memory_space<vmem>>)
        tpu.yield
      }) : () -> ()
      "tpu.region"() ({
        %run_scoped3A = tpu.sem_alloc : memref<!tpu.dma_semaphore, #tpu.memory_space<semaphore_mem>>
        %dma_start3A_58 = arith.constant 0 : i32
        %dma_start3A_59 = arith.constant 0 : i32
        %dma_start3A_60 = tpu.memref_slice %arg15[%dma_start3A_58, %dma_start3A_59] : memref<10240x128xf32, #tpu.memory_space<vmem_shared>> -> memref<10240x128xf32, #tpu.memory_space<vmem_shared>>
        tpu.enqueue_indirect_dma source(%arg12 : memref<128x128xf32, #tpu.memory_space<vmem>>) target(%dma_start3A_60 : memref<10240x128xf32, #tpu.memory_space<vmem_shared>>) offsets(%arg10 : memref<128xi32, #tpu.memory_space<vmem>>) semaphore(%run_scoped3A : memref<!tpu.dma_semaphore, #tpu.memory_space<semaphore_mem>>) {add = true}
        %dma_wait3A_61 = arith.constant 0 : i32
        %dma_wait3A_62 = arith.constant 0 : i32
        %dma_wait3A_63 = tpu.memref_slice %arg15[%dma_wait3A_61, %dma_wait3A_62] : memref<10240x128xf32, #tpu.memory_space<vmem_shared>> -> memref<10240x128xf32, #tpu.memory_space<vmem_shared>>
        tpu.wait_indirect_dma semaphore(%run_scoped3A : memref<!tpu.dma_semaphore, #tpu.memory_space<semaphore_mem>>) src(%arg12 : memref<128x128xf32, #tpu.memory_space<vmem>>) dst(%dma_wait3A_63 : memref<10240x128xf32, #tpu.memory_space<vmem_shared>>)
        tpu.yield
      }) : () -> ()
    }
    %scan3A_21 = arith.constant 80 : i32
    "tpu.trace_stop"() : () -> ()
    %barrier3A_22 = arith.constant 0 : index
    tpu.barrier barrier_id(%barrier3A_22)
    "tpu.trace_start"() <{level = 10 : i32, message = "ph_degrb"}> : () -> ()
    %scan3A_23 = arith.constant 0 : i32
    %scan3A_24 = arith.constant 5 : i32
    %scan3A_25 = arith.addi %scan3A_23, %scan3A_24 : i32
    %scan3A_26 = arith.constant 1 : i32
    scf.for %scan3A_50 = %scan3A_23 to %scan3A_25 step %scan3A_26  : i32 {
      %mul3A_51 = arith.constant 1 : i32
      %mul3A_52 = arith.muli %scan3A_50, %mul3A_51 : i32
      %add3A_53 = arith.constant 0 : i32
      %add3A_54 = arith.addi %add3A_53, %mul3A_52 : i32
      %mul3A_55 = arith.constant 128 : i32
      %mul3A_56 = arith.muli %add3A_54, %mul3A_55 : i32
      %add3A_57 = arith.addi %mul3A_0, %mul3A_56 : i32
      "tpu.region"() ({
        %run_scoped3A = tpu.sem_alloc : memref<!tpu.dma_semaphore, #tpu.memory_space<semaphore_mem>>
        %dma_start3A_61 = tpu.memref_slice %arg5[%add3A_57] : memref<10240xi32, #tpu.memory_space<hbm>> -> memref<128xi32, #tpu.memory_space<hbm>>
        %dma_start3A_62 = tpu.memref_slice %arg5[%add3A_57] : memref<10240xi32, #tpu.memory_space<hbm>> -> memref<128xi32, #tpu.memory_space<hbm>>
        tpu.enqueue_dma source(%dma_start3A_62 : memref<128xi32, #tpu.memory_space<hbm>>) target(%arg14 : memref<128xi32, #tpu.memory_space<vmem>>) target_semaphore(%run_scoped3A : memref<!tpu.dma_semaphore, #tpu.memory_space<semaphore_mem>>)
        %dma_wait3A_63 = tpu.memref_slice %arg5[%add3A_57] : memref<10240xi32, #tpu.memory_space<hbm>> -> memref<128xi32, #tpu.memory_space<hbm>>
        %dma_wait3A_64 = tpu.memref_slice %arg5[%add3A_57] : memref<10240xi32, #tpu.memory_space<hbm>> -> memref<128xi32, #tpu.memory_space<hbm>>
        tpu.wait_dma2 semaphore(%run_scoped3A : memref<!tpu.dma_semaphore, #tpu.memory_space<semaphore_mem>>) src(%dma_wait3A_64 : memref<128xi32, #tpu.memory_space<hbm>>) dst(%arg14 : memref<128xi32, #tpu.memory_space<vmem>>)
        tpu.yield
      }) : () -> ()
      "tpu.region"() ({
        %run_scoped3A = tpu.sem_alloc : memref<!tpu.dma_semaphore, #tpu.memory_space<semaphore_mem>>
        %dma_start3A_61 = arith.constant 0 : i32
        %dma_start3A_62 = arith.constant 0 : i32
        %dma_start3A_63 = tpu.memref_slice %arg15[%dma_start3A_61, %dma_start3A_62] : memref<10240x128xf32, #tpu.memory_space<vmem_shared>> -> memref<10240x128xf32, #tpu.memory_space<vmem_shared>>
        tpu.enqueue_indirect_dma source(%dma_start3A_63 : memref<10240x128xf32, #tpu.memory_space<vmem_shared>>) target(%arg12 : memref<128x128xf32, #tpu.memory_space<vmem>>) offsets(%arg14 : memref<128xi32, #tpu.memory_space<vmem>>) semaphore(%run_scoped3A : memref<!tpu.dma_semaphore, #tpu.memory_space<semaphore_mem>>)
        %dma_wait3A_64 = arith.constant 0 : i32
        %dma_wait3A_65 = arith.constant 0 : i32
        %dma_wait3A_66 = tpu.memref_slice %arg15[%dma_wait3A_64, %dma_wait3A_65] : memref<10240x128xf32, #tpu.memory_space<vmem_shared>> -> memref<10240x128xf32, #tpu.memory_space<vmem_shared>>
        tpu.wait_indirect_dma semaphore(%run_scoped3A : memref<!tpu.dma_semaphore, #tpu.memory_space<semaphore_mem>>) src(%dma_wait3A_66 : memref<10240x128xf32, #tpu.memory_space<vmem_shared>>) dst(%arg12 : memref<128x128xf32, #tpu.memory_space<vmem>>)
        tpu.yield
      }) : () -> ()
      %mul3A_58 = arith.constant 10240 : i32
      %mul3A_59 = arith.muli %arg0, %mul3A_58 : i32
      %add3A_60 = arith.addi %mul3A_59, %add3A_57 : i32
      "tpu.region"() ({
        %run_scoped3A = tpu.sem_alloc : memref<!tpu.dma_semaphore, #tpu.memory_space<semaphore_mem>>
        %dma_start3A_61 = arith.constant 0 : i32
        %dma_start3A_62 = tpu.memref_slice %arg7[%add3A_60, %dma_start3A_61] : memref<20480x128xf32, #tpu.memory_space<hbm>> -> memref<128x128xf32, #tpu.memory_space<hbm>>
        %dma_start3A_63 = arith.constant 0 : i32
        %dma_start3A_64 = tpu.memref_slice %arg7[%add3A_60, %dma_start3A_63] : memref<20480x128xf32, #tpu.memory_space<hbm>> -> memref<128x128xf32, #tpu.memory_space<hbm>>
        tpu.enqueue_dma source(%arg12 : memref<128x128xf32, #tpu.memory_space<vmem>>) target(%dma_start3A_64 : memref<128x128xf32, #tpu.memory_space<hbm>>) target_semaphore(%run_scoped3A : memref<!tpu.dma_semaphore, #tpu.memory_space<semaphore_mem>>)
        %dma_wait3A_65 = arith.constant 0 : i32
        %dma_wait3A_66 = tpu.memref_slice %arg7[%add3A_60, %dma_wait3A_65] : memref<20480x128xf32, #tpu.memory_space<hbm>> -> memref<128x128xf32, #tpu.memory_space<hbm>>
        %dma_wait3A_67 = arith.constant 0 : i32
        %dma_wait3A_68 = tpu.memref_slice %arg7[%add3A_60, %dma_wait3A_67] : memref<20480x128xf32, #tpu.memory_space<hbm>> -> memref<128x128xf32, #tpu.memory_space<hbm>>
        tpu.wait_dma2 semaphore(%run_scoped3A : memref<!tpu.dma_semaphore, #tpu.memory_space<semaphore_mem>>) src(%arg12 : memref<128x128xf32, #tpu.memory_space<vmem>>) dst(%dma_wait3A_68 : memref<128x128xf32, #tpu.memory_space<hbm>>)
        tpu.yield
      }) : () -> ()
    }
    %scan3A_27 = arith.constant 5 : i32
    "tpu.trace_stop"() : () -> ()
    %barrier3A_28 = arith.constant 0 : index
    tpu.barrier barrier_id(%barrier3A_28)
    "tpu.trace_start"() <{level = 10 : i32, message = "ph_rezero"}> : () -> ()
    %scan3A_29 = arith.constant 0 : i32
    %scan3A_30 = arith.constant 5 : i32
    %scan3A_31 = arith.addi %scan3A_29, %scan3A_30 : i32
    %scan3A_32 = arith.constant 1 : i32
    scf.for %scan3A_50 = %scan3A_29 to %scan3A_31 step %scan3A_32  : i32 {
      %mul3A_51 = arith.constant 1 : i32
      %mul3A_52 = arith.muli %scan3A_50, %mul3A_51 : i32
      %add3A_53 = arith.constant 0 : i32
      %add3A_54 = arith.addi %add3A_53, %mul3A_52 : i32
      %mul3A_55 = arith.constant 128 : i32
      %mul3A_56 = arith.muli %add3A_54, %mul3A_55 : i32
      %add3A_57 = arith.addi %mul3A_0, %mul3A_56 : i32
      "tpu.region"() ({
        %run_scoped3A = tpu.sem_alloc : memref<!tpu.dma_semaphore, #tpu.memory_space<semaphore_mem>>
        %dma_start3A_58 = tpu.memref_slice %arg5[%add3A_57] : memref<10240xi32, #tpu.memory_space<hbm>> -> memref<128xi32, #tpu.memory_space<hbm>>
        %dma_start3A_59 = tpu.memref_slice %arg5[%add3A_57] : memref<10240xi32, #tpu.memory_space<hbm>> -> memref<128xi32, #tpu.memory_space<hbm>>
        tpu.enqueue_dma source(%dma_start3A_59 : memref<128xi32, #tpu.memory_space<hbm>>) target(%arg14 : memref<128xi32, #tpu.memory_space<vmem>>) target_semaphore(%run_scoped3A : memref<!tpu.dma_semaphore, #tpu.memory_space<semaphore_mem>>)
        %dma_wait3A_60 = tpu.memref_slice %arg5[%add3A_57] : memref<10240xi32, #tpu.memory_space<hbm>> -> memref<128xi32, #tpu.memory_space<hbm>>
        %dma_wait3A_61 = tpu.memref_slice %arg5[%add3A_57] : memref<10240xi32, #tpu.memory_space<hbm>> -> memref<128xi32, #tpu.memory_space<hbm>>
        tpu.wait_dma2 semaphore(%run_scoped3A : memref<!tpu.dma_semaphore, #tpu.memory_space<semaphore_mem>>) src(%dma_wait3A_61 : memref<128xi32, #tpu.memory_space<hbm>>) dst(%arg14 : memref<128xi32, #tpu.memory_space<vmem>>)
        tpu.yield
      }) : () -> ()
      "tpu.region"() ({
        %run_scoped3A = tpu.sem_alloc : memref<!tpu.dma_semaphore, #tpu.memory_space<semaphore_mem>>
        %dma_start3A_58 = arith.constant 0 : i32
        %dma_start3A_59 = arith.constant 0 : i32
        %dma_start3A_60 = tpu.memref_slice %arg15[%dma_start3A_58, %dma_start3A_59] : memref<10240x128xf32, #tpu.memory_space<vmem_shared>> -> memref<10240x128xf32, #tpu.memory_space<vmem_shared>>
        tpu.enqueue_indirect_dma source(%arg13 : memref<128x128xf32, #tpu.memory_space<vmem>>) target(%dma_start3A_60 : memref<10240x128xf32, #tpu.memory_space<vmem_shared>>) offsets(%arg14 : memref<128xi32, #tpu.memory_space<vmem>>) semaphore(%run_scoped3A : memref<!tpu.dma_semaphore, #tpu.memory_space<semaphore_mem>>)
        %dma_wait3A_61 = arith.constant 0 : i32
        %dma_wait3A_62 = arith.constant 0 : i32
        %dma_wait3A_63 = tpu.memref_slice %arg15[%dma_wait3A_61, %dma_wait3A_62] : memref<10240x128xf32, #tpu.memory_space<vmem_shared>> -> memref<10240x128xf32, #tpu.memory_space<vmem_shared>>
        tpu.wait_indirect_dma semaphore(%run_scoped3A : memref<!tpu.dma_semaphore, #tpu.memory_space<semaphore_mem>>) src(%arg13 : memref<128x128xf32, #tpu.memory_space<vmem>>) dst(%dma_wait3A_63 : memref<10240x128xf32, #tpu.memory_space<vmem_shared>>)
        tpu.yield
      }) : () -> ()
    }
    %scan3A_33 = arith.constant 5 : i32
    "tpu.trace_stop"() : () -> ()
    %barrier3A_34 = arith.constant 0 : index
    tpu.barrier barrier_id(%barrier3A_34)
    "tpu.trace_start"() <{level = 10 : i32, message = "ph_agg"}> : () -> ()
    "tpu.region"() ({
      %run_scoped3A = tpu.sem_alloc : memref<!tpu.dma_semaphore, #tpu.memory_space<semaphore_mem>>
      %dma_start3A_50 = tpu.memref_slice %arg3[%add3A] : memref<327680xi32, #tpu.memory_space<hbm>> -> memref<128xi32, #tpu.memory_space<hbm>>
      %dma_start3A_51 = tpu.memref_slice %arg3[%add3A] : memref<327680xi32, #tpu.memory_space<hbm>> -> memref<128xi32, #tpu.memory_space<hbm>>
      tpu.enqueue_dma source(%dma_start3A_51 : memref<128xi32, #tpu.memory_space<hbm>>) target(%arg8 : memref<128xi32, #tpu.memory_space<vmem>>) target_semaphore(%run_scoped3A : memref<!tpu.dma_semaphore, #tpu.memory_space<semaphore_mem>>)
      %dma_wait3A_52 = tpu.memref_slice %arg3[%add3A] : memref<327680xi32, #tpu.memory_space<hbm>> -> memref<128xi32, #tpu.memory_space<hbm>>
      %dma_wait3A_53 = tpu.memref_slice %arg3[%add3A] : memref<327680xi32, #tpu.memory_space<hbm>> -> memref<128xi32, #tpu.memory_space<hbm>>
      tpu.wait_dma2 semaphore(%run_scoped3A : memref<!tpu.dma_semaphore, #tpu.memory_space<semaphore_mem>>) src(%dma_wait3A_53 : memref<128xi32, #tpu.memory_space<hbm>>) dst(%arg8 : memref<128xi32, #tpu.memory_space<vmem>>)
      tpu.yield
    }) : () -> ()
    "tpu.region"() ({
      %run_scoped3A = tpu.sem_alloc : memref<!tpu.dma_semaphore, #tpu.memory_space<semaphore_mem>>
      %dma_start3A_50 = tpu.memref_slice %arg4[%add3A] : memref<327680xi32, #tpu.memory_space<hbm>> -> memref<128xi32, #tpu.memory_space<hbm>>
      %dma_start3A_51 = tpu.memref_slice %arg4[%add3A] : memref<327680xi32, #tpu.memory_space<hbm>> -> memref<128xi32, #tpu.memory_space<hbm>>
      tpu.enqueue_dma source(%dma_start3A_51 : memref<128xi32, #tpu.memory_space<hbm>>) target(%arg10 : memref<128xi32, #tpu.memory_space<vmem>>) target_semaphore(%run_scoped3A : memref<!tpu.dma_semaphore, #tpu.memory_space<semaphore_mem>>)
      %dma_wait3A_52 = tpu.memref_slice %arg4[%add3A] : memref<327680xi32, #tpu.memory_space<hbm>> -> memref<128xi32, #tpu.memory_space<hbm>>
      %dma_wait3A_53 = tpu.memref_slice %arg4[%add3A] : memref<327680xi32, #tpu.memory_space<hbm>> -> memref<128xi32, #tpu.memory_space<hbm>>
      tpu.wait_dma2 semaphore(%run_scoped3A : memref<!tpu.dma_semaphore, #tpu.memory_space<semaphore_mem>>) src(%dma_wait3A_53 : memref<128xi32, #tpu.memory_space<hbm>>) dst(%arg10 : memref<128xi32, #tpu.memory_space<vmem>>)
      tpu.yield
    }) : () -> ()
    %dma_start3A = arith.constant 0 : i32
    %dma_start3A_35 = arith.constant 0 : i32
    %dma_start3A_36 = tpu.memref_slice %arg2[%dma_start3A, %dma_start3A_35] : memref<10240x128xf32, #tpu.memory_space<hbm>> -> memref<10240x128xf32, #tpu.memory_space<hbm>>
    tpu.enqueue_indirect_dma source(%dma_start3A_36 : memref<10240x128xf32, #tpu.memory_space<hbm>>) target(%arg12 : memref<128x128xf32, #tpu.memory_space<vmem>>) offsets(%arg8 : memref<128xi32, #tpu.memory_space<vmem>>) semaphore(%arg18 : memref<!tpu.dma_semaphore, #tpu.memory_space<semaphore_mem>>)
    %scan3A_37 = arith.constant 0 : i32
    %scan3A_38 = arith.constant 40 : i32
    %scan3A_39 = arith.addi %scan3A_37, %scan3A_38 : i32
    %scan3A_40 = arith.constant 1 : i32
    scf.for %scan3A_50 = %scan3A_37 to %scan3A_39 step %scan3A_40  : i32 {
      %mul3A_51 = arith.constant 1 : i32
      %mul3A_52 = arith.muli %scan3A_50, %mul3A_51 : i32
      %add3A_53 = arith.constant 0 : i32
      %add3A_54 = arith.addi %add3A_53, %mul3A_52 : i32
      %mul3A_55 = arith.constant 2 : i32
      %mul3A_56 = arith.muli %mul3A_55, %add3A_54 : i32
      %mul3A_57 = arith.constant 128 : i32
      %mul3A_58 = arith.muli %mul3A_56, %mul3A_57 : i32
      %add3A_59 = arith.addi %add3A, %mul3A_58 : i32
      %add3A_60 = arith.constant 128 : i32
      %add3A_61 = arith.addi %add3A_59, %add3A_60 : i32
      %mul3A_62 = arith.constant 2 : i32
      %mul3A_63 = arith.muli %mul3A_62, %add3A_54 : i32
      %add3A_64 = arith.constant 2 : i32
      %add3A_65 = arith.addi %mul3A_63, %add3A_64 : i32
      %lt3A = arith.constant 80 : i32
      %lt3A_66 = arith.cmpi slt, %add3A_65, %lt3A : i32
      %add3A_67 = arith.constant 256 : i32
      %add3A_68 = arith.addi %add3A_59, %add3A_67 : i32
      %select_n3A = arith.select %lt3A_66, %add3A_68, %add3A : i32
      "tpu.region"() ({
        %run_scoped3A = tpu.sem_alloc : memref<!tpu.dma_semaphore, #tpu.memory_space<semaphore_mem>>
        %dma_start3A_81 = tpu.memref_slice %arg3[%add3A_61] : memref<327680xi32, #tpu.memory_space<hbm>> -> memref<128xi32, #tpu.memory_space<hbm>>
        %dma_start3A_82 = tpu.memref_slice %arg3[%add3A_61] : memref<327680xi32, #tpu.memory_space<hbm>> -> memref<128xi32, #tpu.memory_space<hbm>>
        tpu.enqueue_dma source(%dma_start3A_82 : memref<128xi32, #tpu.memory_space<hbm>>) target(%arg9 : memref<128xi32, #tpu.memory_space<vmem>>) target_semaphore(%run_scoped3A : memref<!tpu.dma_semaphore, #tpu.memory_space<semaphore_mem>>)
        %dma_wait3A_83 = tpu.memref_slice %arg3[%add3A_61] : memref<327680xi32, #tpu.memory_space<hbm>> -> memref<128xi32, #tpu.memory_space<hbm>>
        %dma_wait3A_84 = tpu.memref_slice %arg3[%add3A_61] : memref<327680xi32, #tpu.memory_space<hbm>> -> memref<128xi32, #tpu.memory_space<hbm>>
        tpu.wait_dma2 semaphore(%run_scoped3A : memref<!tpu.dma_semaphore, #tpu.memory_space<semaphore_mem>>) src(%dma_wait3A_84 : memref<128xi32, #tpu.memory_space<hbm>>) dst(%arg9 : memref<128xi32, #tpu.memory_space<vmem>>)
        tpu.yield
      }) : () -> ()
      "tpu.region"() ({
        %run_scoped3A = tpu.sem_alloc : memref<!tpu.dma_semaphore, #tpu.memory_space<semaphore_mem>>
        %dma_start3A_81 = tpu.memref_slice %arg4[%add3A_61] : memref<327680xi32, #tpu.memory_space<hbm>> -> memref<128xi32, #tpu.memory_space<hbm>>
        %dma_start3A_82 = tpu.memref_slice %arg4[%add3A_61] : memref<327680xi32, #tpu.memory_space<hbm>> -> memref<128xi32, #tpu.memory_space<hbm>>
        tpu.enqueue_dma source(%dma_start3A_82 : memref<128xi32, #tpu.memory_space<hbm>>) target(%arg11 : memref<128xi32, #tpu.memory_space<vmem>>) target_semaphore(%run_scoped3A : memref<!tpu.dma_semaphore, #tpu.memory_space<semaphore_mem>>)
        %dma_wait3A_83 = tpu.memref_slice %arg4[%add3A_61] : memref<327680xi32, #tpu.memory_space<hbm>> -> memref<128xi32, #tpu.memory_space<hbm>>
        %dma_wait3A_84 = tpu.memref_slice %arg4[%add3A_61] : memref<327680xi32, #tpu.memory_space<hbm>> -> memref<128xi32, #tpu.memory_space<hbm>>
        tpu.wait_dma2 semaphore(%run_scoped3A : memref<!tpu.dma_semaphore, #tpu.memory_space<semaphore_mem>>) src(%dma_wait3A_84 : memref<128xi32, #tpu.memory_space<hbm>>) dst(%arg11 : memref<128xi32, #tpu.memory_space<vmem>>)
        tpu.yield
      }) : () -> ()
      %dma_wait3A_69 = arith.constant 0 : i32
      %dma_wait3A_70 = arith.constant 0 : i32
      %dma_wait3A_71 = tpu.memref_slice %arg2[%dma_wait3A_69, %dma_wait3A_70] : memref<10240x128xf32, #tpu.memory_space<hbm>> -> memref<10240x128xf32, #tpu.memory_space<hbm>>
      tpu.wait_indirect_dma semaphore(%arg18 : memref<!tpu.dma_semaphore, #tpu.memory_space<semaphore_mem>>) src(%dma_wait3A_71 : memref<10240x128xf32, #tpu.memory_space<hbm>>) dst(%arg12 : memref<128x128xf32, #tpu.memory_space<vmem>>)
      %dma_start3A_72 = arith.constant 0 : i32
      %dma_start3A_73 = arith.constant 0 : i32
      %dma_start3A_74 = tpu.memref_slice %arg2[%dma_start3A_72, %dma_start3A_73] : memref<10240x128xf32, #tpu.memory_space<hbm>> -> memref<10240x128xf32, #tpu.memory_space<hbm>>
      tpu.enqueue_indirect_dma source(%dma_start3A_74 : memref<10240x128xf32, #tpu.memory_space<hbm>>) target(%arg13 : memref<128x128xf32, #tpu.memory_space<vmem>>) offsets(%arg9 : memref<128xi32, #tpu.memory_space<vmem>>) semaphore(%arg19 : memref<!tpu.dma_semaphore, #tpu.memory_space<semaphore_mem>>)
      "tpu.region"() ({
        %run_scoped3A = tpu.sem_alloc : memref<!tpu.dma_semaphore, #tpu.memory_space<semaphore_mem>>
        %dma_start3A_81 = arith.constant 0 : i32
        %dma_start3A_82 = arith.constant 0 : i32
        %dma_start3A_83 = tpu.memref_slice %arg15[%dma_start3A_81, %dma_start3A_82] : memref<10240x128xf32, #tpu.memory_space<vmem_shared>> -> memref<10240x128xf32, #tpu.memory_space<vmem_shared>>
        tpu.enqueue_indirect_dma source(%arg12 : memref<128x128xf32, #tpu.memory_space<vmem>>) target(%dma_start3A_83 : memref<10240x128xf32, #tpu.memory_space<vmem_shared>>) offsets(%arg10 : memref<128xi32, #tpu.memory_space<vmem>>) semaphore(%run_scoped3A : memref<!tpu.dma_semaphore, #tpu.memory_space<semaphore_mem>>) {add = true}
        %dma_wait3A_84 = arith.constant 0 : i32
        %dma_wait3A_85 = arith.constant 0 : i32
        %dma_wait3A_86 = tpu.memref_slice %arg15[%dma_wait3A_84, %dma_wait3A_85] : memref<10240x128xf32, #tpu.memory_space<vmem_shared>> -> memref<10240x128xf32, #tpu.memory_space<vmem_shared>>
        tpu.wait_indirect_dma semaphore(%run_scoped3A : memref<!tpu.dma_semaphore, #tpu.memory_space<semaphore_mem>>) src(%arg12 : memref<128x128xf32, #tpu.memory_space<vmem>>) dst(%dma_wait3A_86 : memref<10240x128xf32, #tpu.memory_space<vmem_shared>>)
        tpu.yield
      }) : () -> ()
      "tpu.region"() ({
        %run_scoped3A = tpu.sem_alloc : memref<!tpu.dma_semaphore, #tpu.memory_space<semaphore_mem>>
        %dma_start3A_81 = tpu.memref_slice %arg3[%select_n3A] : memref<327680xi32, #tpu.memory_space<hbm>> -> memref<128xi32, #tpu.memory_space<hbm>>
        %dma_start3A_82 = tpu.memref_slice %arg3[%select_n3A] : memref<327680xi32, #tpu.memory_space<hbm>> -> memref<128xi32, #tpu.memory_space<hbm>>
        tpu.enqueue_dma source(%dma_start3A_82 : memref<128xi32, #tpu.memory_space<hbm>>) target(%arg8 : memref<128xi32, #tpu.memory_space<vmem>>) target_semaphore(%run_scoped3A : memref<!tpu.dma_semaphore, #tpu.memory_space<semaphore_mem>>)
        %dma_wait3A_83 = tpu.memref_slice %arg3[%select_n3A] : memref<327680xi32, #tpu.memory_space<hbm>> -> memref<128xi32, #tpu.memory_space<hbm>>
        %dma_wait3A_84 = tpu.memref_slice %arg3[%select_n3A] : memref<327680xi32, #tpu.memory_space<hbm>> -> memref<128xi32, #tpu.memory_space<hbm>>
        tpu.wait_dma2 semaphore(%run_scoped3A : memref<!tpu.dma_semaphore, #tpu.memory_space<semaphore_mem>>) src(%dma_wait3A_84 : memref<128xi32, #tpu.memory_space<hbm>>) dst(%arg8 : memref<128xi32, #tpu.memory_space<vmem>>)
        tpu.yield
      }) : () -> ()
      "tpu.region"() ({
        %run_scoped3A = tpu.sem_alloc : memref<!tpu.dma_semaphore, #tpu.memory_space<semaphore_mem>>
        %dma_start3A_81 = tpu.memref_slice %arg4[%select_n3A] : memref<327680xi32, #tpu.memory_space<hbm>> -> memref<128xi32, #tpu.memory_space<hbm>>
        %dma_start3A_82 = tpu.memref_slice %arg4[%select_n3A] : memref<327680xi32, #tpu.memory_space<hbm>> -> memref<128xi32, #tpu.memory_space<hbm>>
        tpu.enqueue_dma source(%dma_start3A_82 : memref<128xi32, #tpu.memory_space<hbm>>) target(%arg10 : memref<128xi32, #tpu.memory_space<vmem>>) target_semaphore(%run_scoped3A : memref<!tpu.dma_semaphore, #tpu.memory_space<semaphore_mem>>)
        %dma_wait3A_83 = tpu.memref_slice %arg4[%select_n3A] : memref<327680xi32, #tpu.memory_space<hbm>> -> memref<128xi32, #tpu.memory_space<hbm>>
        %dma_wait3A_84 = tpu.memref_slice %arg4[%select_n3A] : memref<327680xi32, #tpu.memory_space<hbm>> -> memref<128xi32, #tpu.memory_space<hbm>>
        tpu.wait_dma2 semaphore(%run_scoped3A : memref<!tpu.dma_semaphore, #tpu.memory_space<semaphore_mem>>) src(%dma_wait3A_84 : memref<128xi32, #tpu.memory_space<hbm>>) dst(%arg10 : memref<128xi32, #tpu.memory_space<vmem>>)
        tpu.yield
      }) : () -> ()
      %dma_start3A_75 = arith.constant 0 : i32
      %dma_start3A_76 = arith.constant 0 : i32
      %dma_start3A_77 = tpu.memref_slice %arg2[%dma_start3A_75, %dma_start3A_76] : memref<10240x128xf32, #tpu.memory_space<hbm>> -> memref<10240x128xf32, #tpu.memory_space<hbm>>
      tpu.enqueue_indirect_dma source(%dma_start3A_77 : memref<10240x128xf32, #tpu.memory_space<hbm>>) target(%arg12 : memref<128x128xf32, #tpu.memory_space<vmem>>) offsets(%arg8 : memref<128xi32, #tpu.memory_space<vmem>>) semaphore(%arg18 : memref<!tpu.dma_semaphore, #tpu.memory_space<semaphore_mem>>)
      %dma_wait3A_78 = arith.constant 0 : i32
      %dma_wait3A_79 = arith.constant 0 : i32
      %dma_wait3A_80 = tpu.memref_slice %arg2[%dma_wait3A_78, %dma_wait3A_79] : memref<10240x128xf32, #tpu.memory_space<hbm>> -> memref<10240x128xf32, #tpu.memory_space<hbm>>
      tpu.wait_indirect_dma semaphore(%arg19 : memref<!tpu.dma_semaphore, #tpu.memory_space<semaphore_mem>>) src(%dma_wait3A_80 : memref<10240x128xf32, #tpu.memory_space<hbm>>) dst(%arg13 : memref<128x128xf32, #tpu.memory_space<vmem>>)
      "tpu.region"() ({
        %run_scoped3A = tpu.sem_alloc : memref<!tpu.dma_semaphore, #tpu.memory_space<semaphore_mem>>
        %dma_start3A_81 = arith.constant 0 : i32
        %dma_start3A_82 = arith.constant 0 : i32
        %dma_start3A_83 = tpu.memref_slice %arg15[%dma_start3A_81, %dma_start3A_82] : memref<10240x128xf32, #tpu.memory_space<vmem_shared>> -> memref<10240x128xf32, #tpu.memory_space<vmem_shared>>
        tpu.enqueue_indirect_dma source(%arg13 : memref<128x128xf32, #tpu.memory_space<vmem>>) target(%dma_start3A_83 : memref<10240x128xf32, #tpu.memory_space<vmem_shared>>) offsets(%arg11 : memref<128xi32, #tpu.memory_space<vmem>>) semaphore(%run_scoped3A : memref<!tpu.dma_semaphore, #tpu.memory_space<semaphore_mem>>) {add = true}
        %dma_wait3A_84 = arith.constant 0 : i32
        %dma_wait3A_85 = arith.constant 0 : i32
        %dma_wait3A_86 = tpu.memref_slice %arg15[%dma_wait3A_84, %dma_wait3A_85] : memref<10240x128xf32, #tpu.memory_space<vmem_shared>> -> memref<10240x128xf32, #tpu.memory_space<vmem_shared>>
        tpu.wait_indirect_dma semaphore(%run_scoped3A : memref<!tpu.dma_semaphore, #tpu.memory_space<semaphore_mem>>) src(%arg13 : memref<128x128xf32, #tpu.memory_space<vmem>>) dst(%dma_wait3A_86 : memref<10240x128xf32, #tpu.memory_space<vmem_shared>>)
        tpu.yield
      }) : () -> ()
    }
    %scan3A_41 = arith.constant 40 : i32
    %dma_wait3A = arith.constant 0 : i32
    %dma_wait3A_42 = arith.constant 0 : i32
    %dma_wait3A_43 = tpu.memref_slice %arg2[%dma_wait3A, %dma_wait3A_42] : memref<10240x128xf32, #tpu.memory_space<hbm>> -> memref<10240x128xf32, #tpu.memory_space<hbm>>
    tpu.wait_indirect_dma semaphore(%arg18 : memref<!tpu.dma_semaphore, #tpu.memory_space<semaphore_mem>>) src(%dma_wait3A_43 : memref<10240x128xf32, #tpu.memory_space<hbm>>) dst(%arg12 : memref<128x128xf32, #tpu.memory_space<vmem>>)
    "tpu.trace_stop"() : () -> ()
    %barrier3A_44 = arith.constant 0 : index
    tpu.barrier barrier_id(%barrier3A_44)
    "tpu.trace_start"() <{level = 10 : i32, message = "ph_partrb"}> : () -> ()
    %scan3A_45 = arith.constant 0 : i32
    %scan3A_46 = arith.constant 5 : i32
    %scan3A_47 = arith.addi %scan3A_45, %scan3A_46 : i32
    %scan3A_48 = arith.constant 1 : i32
    scf.for %scan3A_50 = %scan3A_45 to %scan3A_47 step %scan3A_48  : i32 {
      %mul3A_51 = arith.constant 1 : i32
      %mul3A_52 = arith.muli %scan3A_50, %mul3A_51 : i32
      %add3A_53 = arith.constant 0 : i32
      %add3A_54 = arith.addi %add3A_53, %mul3A_52 : i32
      %mul3A_55 = arith.constant 128 : i32
      %mul3A_56 = arith.muli %add3A_54, %mul3A_55 : i32
      %add3A_57 = arith.addi %mul3A_0, %mul3A_56 : i32
      "tpu.region"() ({
        %run_scoped3A = tpu.sem_alloc : memref<!tpu.dma_semaphore, #tpu.memory_space<semaphore_mem>>
        %dma_start3A_61 = tpu.memref_slice %arg5[%add3A_57] : memref<10240xi32, #tpu.memory_space<hbm>> -> memref<128xi32, #tpu.memory_space<hbm>>
        %dma_start3A_62 = tpu.memref_slice %arg5[%add3A_57] : memref<10240xi32, #tpu.memory_space<hbm>> -> memref<128xi32, #tpu.memory_space<hbm>>
        tpu.enqueue_dma source(%dma_start3A_62 : memref<128xi32, #tpu.memory_space<hbm>>) target(%arg14 : memref<128xi32, #tpu.memory_space<vmem>>) target_semaphore(%run_scoped3A : memref<!tpu.dma_semaphore, #tpu.memory_space<semaphore_mem>>)
        %dma_wait3A_63 = tpu.memref_slice %arg5[%add3A_57] : memref<10240xi32, #tpu.memory_space<hbm>> -> memref<128xi32, #tpu.memory_space<hbm>>
        %dma_wait3A_64 = tpu.memref_slice %arg5[%add3A_57] : memref<10240xi32, #tpu.memory_space<hbm>> -> memref<128xi32, #tpu.memory_space<hbm>>
        tpu.wait_dma2 semaphore(%run_scoped3A : memref<!tpu.dma_semaphore, #tpu.memory_space<semaphore_mem>>) src(%dma_wait3A_64 : memref<128xi32, #tpu.memory_space<hbm>>) dst(%arg14 : memref<128xi32, #tpu.memory_space<vmem>>)
        tpu.yield
      }) : () -> ()
      "tpu.region"() ({
        %run_scoped3A = tpu.sem_alloc : memref<!tpu.dma_semaphore, #tpu.memory_space<semaphore_mem>>
        %dma_start3A_61 = arith.constant 0 : i32
        %dma_start3A_62 = arith.constant 0 : i32
        %dma_start3A_63 = tpu.memref_slice %arg15[%dma_start3A_61, %dma_start3A_62] : memref<10240x128xf32, #tpu.memory_space<vmem_shared>> -> memref<10240x128xf32, #tpu.memory_space<vmem_shared>>
        tpu.enqueue_indirect_dma source(%dma_start3A_63 : memref<10240x128xf32, #tpu.memory_space<vmem_shared>>) target(%arg12 : memref<128x128xf32, #tpu.memory_space<vmem>>) offsets(%arg14 : memref<128xi32, #tpu.memory_space<vmem>>) semaphore(%run_scoped3A : memref<!tpu.dma_semaphore, #tpu.memory_space<semaphore_mem>>)
        %dma_wait3A_64 = arith.constant 0 : i32
        %dma_wait3A_65 = arith.constant 0 : i32
        %dma_wait3A_66 = tpu.memref_slice %arg15[%dma_wait3A_64, %dma_wait3A_65] : memref<10240x128xf32, #tpu.memory_space<vmem_shared>> -> memref<10240x128xf32, #tpu.memory_space<vmem_shared>>
        tpu.wait_indirect_dma semaphore(%run_scoped3A : memref<!tpu.dma_semaphore, #tpu.memory_space<semaphore_mem>>) src(%dma_wait3A_66 : memref<10240x128xf32, #tpu.memory_space<vmem_shared>>) dst(%arg12 : memref<128x128xf32, #tpu.memory_space<vmem>>)
        tpu.yield
      }) : () -> ()
      %mul3A_58 = arith.constant 10240 : i32
      %mul3A_59 = arith.muli %arg0, %mul3A_58 : i32
      %add3A_60 = arith.addi %mul3A_59, %add3A_57 : i32
      "tpu.region"() ({
        %run_scoped3A = tpu.sem_alloc : memref<!tpu.dma_semaphore, #tpu.memory_space<semaphore_mem>>
        %dma_start3A_61 = arith.constant 0 : i32
        %dma_start3A_62 = tpu.memref_slice %arg6[%add3A_60, %dma_start3A_61] : memref<20480x128xf32, #tpu.memory_space<hbm>> -> memref<128x128xf32, #tpu.memory_space<hbm>>
        %dma_start3A_63 = arith.constant 0 : i32
        %dma_start3A_64 = tpu.memref_slice %arg6[%add3A_60, %dma_start3A_63] : memref<20480x128xf32, #tpu.memory_space<hbm>> -> memref<128x128xf32, #tpu.memory_space<hbm>>
        tpu.enqueue_dma source(%arg12 : memref<128x128xf32, #tpu.memory_space<vmem>>) target(%dma_start3A_64 : memref<128x128xf32, #tpu.memory_space<hbm>>) target_semaphore(%run_scoped3A : memref<!tpu.dma_semaphore, #tpu.memory_space<semaphore_mem>>)
        %dma_wait3A_65 = arith.constant 0 : i32
        %dma_wait3A_66 = tpu.memref_slice %arg6[%add3A_60, %dma_wait3A_65] : memref<20480x128xf32, #tpu.memory_space<hbm>> -> memref<128x128xf32, #tpu.memory_space<hbm>>
        %dma_wait3A_67 = arith.constant 0 : i32
        %dma_wait3A_68 = tpu.memref_slice %arg6[%add3A_60, %dma_wait3A_67] : memref<20480x128xf32, #tpu.memory_space<hbm>> -> memref<128x128xf32, #tpu.memory_space<hbm>>
        tpu.wait_dma2 semaphore(%run_scoped3A : memref<!tpu.dma_semaphore, #tpu.memory_space<semaphore_mem>>) src(%arg12 : memref<128x128xf32, #tpu.memory_space<vmem>>) dst(%dma_wait3A_68 : memref<128x128xf32, #tpu.memory_space<hbm>>)
        tpu.yield
      }) : () -> ()
    }
    %scan3A_49 = arith.constant 5 : i32
    "tpu.trace_stop"() : () -> ()
    return
  }
}

#map = affine_map<(d0, d1) -> (0, 0)>
#map1 = affine_map<(d0, d1) -> (0)>
module attributes {stable_mosaic.version = 14 : i64} {
  func.func @body(%arg0: i32, %arg1: i32, %arg2: memref<10240x128xf32, #tpu.memory_space<hbm>>, %arg3: memref<327680xi32, #tpu.memory_space<hbm>>, %arg4: memref<327680xi32, #tpu.memory_space<hbm>>, %arg5: memref<10240xi32, #tpu.memory_space<hbm>>, %arg6: memref<20480x128xf32, #tpu.memory_space<hbm>>, %arg7: memref<128xi32, #tpu.memory_space<vmem>>, %arg8: memref<128xi32, #tpu.memory_space<vmem>>, %arg9: memref<128xi32, #tpu.memory_space<vmem>>, %arg10: memref<128xi32, #tpu.memory_space<vmem>>, %arg11: memref<128x128xf32, #tpu.memory_space<vmem>>, %arg12: memref<128x128xf32, #tpu.memory_space<vmem>>, %arg13: memref<128xi32, #tpu.memory_space<vmem>>, %arg14: memref<10240x128xf32, #tpu.memory_space<vmem_shared>>, %arg15: memref<!tpu.dma_semaphore, #tpu.memory_space<semaphore_mem>>, %arg16: memref<!tpu.dma_semaphore, #tpu.memory_space<semaphore_mem>>, %arg17: memref<!tpu.dma_semaphore, #tpu.memory_space<semaphore_mem>>, %arg18: memref<!tpu.dma_semaphore, #tpu.memory_space<semaphore_mem>>, %arg19: memref<!tpu.dma_semaphore, #tpu.memory_space<semaphore_mem>>, %arg20: memref<!tpu.dma_semaphore, #tpu.memory_space<semaphore_mem>>) attributes {dimension_semantics = [#tpu.dimension_semantics<core_parallel>, #tpu.dimension_semantics<subcore_parallel>], iteration_bounds = array<i64: 2, 16>, scalar_prefetch = 0 : i64, scratch_operands = 14 : i64, tpu.core_type = #tpu.core_type<sc_vector_subcore>, window_params = [{transform_indices = #map}, {transform_indices = #map1}, {transform_indices = #map1}, {transform_indices = #map1}, {transform_indices = #map}]} {
    %mul3A = arith.constant 640 : i32
    %mul3A_0 = arith.muli %arg1, %mul3A : i32
    %mul3A_1 = arith.constant 163840 : i32
    %mul3A_2 = arith.muli %arg0, %mul3A_1 : i32
    %mul3A_3 = arith.constant 10240 : i32
    %mul3A_4 = arith.muli %arg1, %mul3A_3 : i32
    %add3A = arith.addi %mul3A_2, %mul3A_4 : i32
    %broadcast_in_dim3A = arith.constant 0.000000e+00 : f32
    %broadcast_in_dim3A_5 = vector.broadcast %broadcast_in_dim3A : f32 to vector<16xf32>
    %broadcast_in_dim3A_6 = arith.constant 1.000000e+00 : f32
    %broadcast_in_dim3A_7 = vector.broadcast %broadcast_in_dim3A_6 : f32 to vector<16xf32>
    %scan3A = arith.constant 0 : i32
    %scan3A_8 = arith.constant 128 : i32
    %scan3A_9 = arith.addi %scan3A, %scan3A_8 : i32
    %scan3A_10 = arith.constant 1 : i32
    scf.for %scan3A_32 = %scan3A to %scan3A_9 step %scan3A_10  : i32 {
      %mul3A_33 = arith.constant 1 : i32
      %mul3A_34 = arith.muli %scan3A_32, %mul3A_33 : i32
      %add3A_35 = arith.constant 0 : i32
      %add3A_36 = arith.addi %add3A_35, %mul3A_34 : i32
      %swap3A = arith.index_cast %add3A_36 : i32 to index
      %swap3A_37 = arith.constant 0 : index
      %swap3A_38 = tpu.vector_load %arg12[%swap3A, %swap3A_37] {strides = array<i32>} : memref<128x128xf32, #tpu.memory_space<vmem>>, vector<1x16xf32>,
      %swap3A_39 = vector.shape_cast %swap3A_38 : vector<1x16xf32> to vector<16xf32>
      %swap3A_40 = vector.shape_cast %broadcast_in_dim3A_5 : vector<16xf32> to vector<1x16xf32>
      tpu.vector_store %arg12[%swap3A, %swap3A_37], %swap3A_40 {strides = array<i32>} : memref<128x128xf32, #tpu.memory_space<vmem>>, vector<1x16xf32>,
      %swap3A_41 = arith.index_cast %add3A_36 : i32 to index
      %swap3A_42 = arith.constant 16 : index
      %swap3A_43 = tpu.vector_load %arg12[%swap3A_41, %swap3A_42] {strides = array<i32>} : memref<128x128xf32, #tpu.memory_space<vmem>>, vector<1x16xf32>,
      %swap3A_44 = vector.shape_cast %swap3A_43 : vector<1x16xf32> to vector<16xf32>
      %swap3A_45 = vector.shape_cast %broadcast_in_dim3A_5 : vector<16xf32> to vector<1x16xf32>
      tpu.vector_store %arg12[%swap3A_41, %swap3A_42], %swap3A_45 {strides = array<i32>} : memref<128x128xf32, #tpu.memory_space<vmem>>, vector<1x16xf32>,
      %swap3A_46 = arith.index_cast %add3A_36 : i32 to index
      %swap3A_47 = arith.constant 32 : index
      %swap3A_48 = tpu.vector_load %arg12[%swap3A_46, %swap3A_47] {strides = array<i32>} : memref<128x128xf32, #tpu.memory_space<vmem>>, vector<1x16xf32>,
      %swap3A_49 = vector.shape_cast %swap3A_48 : vector<1x16xf32> to vector<16xf32>
      %swap3A_50 = vector.shape_cast %broadcast_in_dim3A_5 : vector<16xf32> to vector<1x16xf32>
      tpu.vector_store %arg12[%swap3A_46, %swap3A_47], %swap3A_50 {strides = array<i32>} : memref<128x128xf32, #tpu.memory_space<vmem>>, vector<1x16xf32>,
      %swap3A_51 = arith.index_cast %add3A_36 : i32 to index
      %swap3A_52 = arith.constant 48 : index
      %swap3A_53 = tpu.vector_load %arg12[%swap3A_51, %swap3A_52] {strides = array<i32>} : memref<128x128xf32, #tpu.memory_space<vmem>>, vector<1x16xf32>,
      %swap3A_54 = vector.shape_cast %swap3A_53 : vector<1x16xf32> to vector<16xf32>
      %swap3A_55 = vector.shape_cast %broadcast_in_dim3A_5 : vector<16xf32> to vector<1x16xf32>
      tpu.vector_store %arg12[%swap3A_51, %swap3A_52], %swap3A_55 {strides = array<i32>} : memref<128x128xf32, #tpu.memory_space<vmem>>, vector<1x16xf32>,
      %swap3A_56 = arith.index_cast %add3A_36 : i32 to index
      %swap3A_57 = arith.constant 64 : index
      %swap3A_58 = tpu.vector_load %arg12[%swap3A_56, %swap3A_57] {strides = array<i32>} : memref<128x128xf32, #tpu.memory_space<vmem>>, vector<1x16xf32>,
      %swap3A_59 = vector.shape_cast %swap3A_58 : vector<1x16xf32> to vector<16xf32>
      %swap3A_60 = vector.shape_cast %broadcast_in_dim3A_5 : vector<16xf32> to vector<1x16xf32>
      tpu.vector_store %arg12[%swap3A_56, %swap3A_57], %swap3A_60 {strides = array<i32>} : memref<128x128xf32, #tpu.memory_space<vmem>>, vector<1x16xf32>,
      %swap3A_61 = arith.index_cast %add3A_36 : i32 to index
      %swap3A_62 = arith.constant 80 : index
      %swap3A_63 = tpu.vector_load %arg12[%swap3A_61, %swap3A_62] {strides = array<i32>} : memref<128x128xf32, #tpu.memory_space<vmem>>, vector<1x16xf32>,
      %swap3A_64 = vector.shape_cast %swap3A_63 : vector<1x16xf32> to vector<16xf32>
      %swap3A_65 = vector.shape_cast %broadcast_in_dim3A_5 : vector<16xf32> to vector<1x16xf32>
      tpu.vector_store %arg12[%swap3A_61, %swap3A_62], %swap3A_65 {strides = array<i32>} : memref<128x128xf32, #tpu.memory_space<vmem>>, vector<1x16xf32>,
      %swap3A_66 = arith.index_cast %add3A_36 : i32 to index
      %swap3A_67 = arith.constant 96 : index
      %swap3A_68 = tpu.vector_load %arg12[%swap3A_66, %swap3A_67] {strides = array<i32>} : memref<128x128xf32, #tpu.memory_space<vmem>>, vector<1x16xf32>,
      %swap3A_69 = vector.shape_cast %swap3A_68 : vector<1x16xf32> to vector<16xf32>
      %swap3A_70 = vector.shape_cast %broadcast_in_dim3A_5 : vector<16xf32> to vector<1x16xf32>
      tpu.vector_store %arg12[%swap3A_66, %swap3A_67], %swap3A_70 {strides = array<i32>} : memref<128x128xf32, #tpu.memory_space<vmem>>, vector<1x16xf32>,
      %swap3A_71 = arith.index_cast %add3A_36 : i32 to index
      %swap3A_72 = arith.constant 112 : index
      %swap3A_73 = tpu.vector_load %arg12[%swap3A_71, %swap3A_72] {strides = array<i32>} : memref<128x128xf32, #tpu.memory_space<vmem>>, vector<1x16xf32>,
      %swap3A_74 = vector.shape_cast %swap3A_73 : vector<1x16xf32> to vector<16xf32>
      %swap3A_75 = vector.shape_cast %broadcast_in_dim3A_5 : vector<16xf32> to vector<1x16xf32>
      tpu.vector_store %arg12[%swap3A_71, %swap3A_72], %swap3A_75 {strides = array<i32>} : memref<128x128xf32, #tpu.memory_space<vmem>>, vector<1x16xf32>,
    }
    %scan3A_11 = arith.constant 128 : i32
    "tpu.trace_start"() <{level = 10 : i32, message = "ph_zero"}> : () -> ()
    %scan3A_12 = arith.constant 0 : i32
    %scan3A_13 = arith.constant 5 : i32
    %scan3A_14 = arith.addi %scan3A_12, %scan3A_13 : i32
    %scan3A_15 = arith.constant 1 : i32
    scf.for %scan3A_32 = %scan3A_12 to %scan3A_14 step %scan3A_15  : i32 {
      %mul3A_33 = arith.constant 1 : i32
      %mul3A_34 = arith.muli %scan3A_32, %mul3A_33 : i32
      %add3A_35 = arith.constant 0 : i32
      %add3A_36 = arith.addi %add3A_35, %mul3A_34 : i32
      %mul3A_37 = arith.constant 128 : i32
      %mul3A_38 = arith.muli %add3A_36, %mul3A_37 : i32
      %add3A_39 = arith.addi %mul3A_0, %mul3A_38 : i32
      "tpu.region"() ({
        %run_scoped3A = tpu.sem_alloc : memref<!tpu.dma_semaphore, #tpu.memory_space<semaphore_mem>>
        %dma_start3A_40 = tpu.memref_slice %arg5[%add3A_39] : memref<10240xi32, #tpu.memory_space<hbm>> -> memref<128xi32, #tpu.memory_space<hbm>>
        %dma_start3A_41 = tpu.memref_slice %arg5[%add3A_39] : memref<10240xi32, #tpu.memory_space<hbm>> -> memref<128xi32, #tpu.memory_space<hbm>>
        tpu.enqueue_dma source(%dma_start3A_41 : memref<128xi32, #tpu.memory_space<hbm>>) target(%arg13 : memref<128xi32, #tpu.memory_space<vmem>>) target_semaphore(%run_scoped3A : memref<!tpu.dma_semaphore, #tpu.memory_space<semaphore_mem>>)
        %dma_wait3A_42 = tpu.memref_slice %arg5[%add3A_39] : memref<10240xi32, #tpu.memory_space<hbm>> -> memref<128xi32, #tpu.memory_space<hbm>>
        %dma_wait3A_43 = tpu.memref_slice %arg5[%add3A_39] : memref<10240xi32, #tpu.memory_space<hbm>> -> memref<128xi32, #tpu.memory_space<hbm>>
        tpu.wait_dma2 semaphore(%run_scoped3A : memref<!tpu.dma_semaphore, #tpu.memory_space<semaphore_mem>>) src(%dma_wait3A_43 : memref<128xi32, #tpu.memory_space<hbm>>) dst(%arg13 : memref<128xi32, #tpu.memory_space<vmem>>)
        tpu.yield
      }) : () -> ()
      "tpu.region"() ({
        %run_scoped3A = tpu.sem_alloc : memref<!tpu.dma_semaphore, #tpu.memory_space<semaphore_mem>>
        %dma_start3A_40 = arith.constant 0 : i32
        %dma_start3A_41 = arith.constant 0 : i32
        %dma_start3A_42 = tpu.memref_slice %arg14[%dma_start3A_40, %dma_start3A_41] : memref<10240x128xf32, #tpu.memory_space<vmem_shared>> -> memref<10240x128xf32, #tpu.memory_space<vmem_shared>>
        tpu.enqueue_indirect_dma source(%arg12 : memref<128x128xf32, #tpu.memory_space<vmem>>) target(%dma_start3A_42 : memref<10240x128xf32, #tpu.memory_space<vmem_shared>>) offsets(%arg13 : memref<128xi32, #tpu.memory_space<vmem>>) semaphore(%run_scoped3A : memref<!tpu.dma_semaphore, #tpu.memory_space<semaphore_mem>>)
        %dma_wait3A_43 = arith.constant 0 : i32
        %dma_wait3A_44 = arith.constant 0 : i32
        %dma_wait3A_45 = tpu.memref_slice %arg14[%dma_wait3A_43, %dma_wait3A_44] : memref<10240x128xf32, #tpu.memory_space<vmem_shared>> -> memref<10240x128xf32, #tpu.memory_space<vmem_shared>>
        tpu.wait_indirect_dma semaphore(%run_scoped3A : memref<!tpu.dma_semaphore, #tpu.memory_space<semaphore_mem>>) src(%arg12 : memref<128x128xf32, #tpu.memory_space<vmem>>) dst(%dma_wait3A_45 : memref<10240x128xf32, #tpu.memory_space<vmem_shared>>)
        tpu.yield
      }) : () -> ()
    }
    %scan3A_16 = arith.constant 5 : i32
    "tpu.trace_stop"() : () -> ()
    %barrier3A = arith.constant 0 : index
    tpu.barrier barrier_id(%barrier3A)
    "tpu.trace_start"() <{level = 10 : i32, message = "ph_agg"}> : () -> ()
    "tpu.region"() ({
      %run_scoped3A = tpu.sem_alloc : memref<!tpu.dma_semaphore, #tpu.memory_space<semaphore_mem>>
      %dma_start3A_32 = tpu.memref_slice %arg3[%add3A] : memref<327680xi32, #tpu.memory_space<hbm>> -> memref<128xi32, #tpu.memory_space<hbm>>
      %dma_start3A_33 = tpu.memref_slice %arg3[%add3A] : memref<327680xi32, #tpu.memory_space<hbm>> -> memref<128xi32, #tpu.memory_space<hbm>>
      tpu.enqueue_dma source(%dma_start3A_33 : memref<128xi32, #tpu.memory_space<hbm>>) target(%arg7 : memref<128xi32, #tpu.memory_space<vmem>>) target_semaphore(%run_scoped3A : memref<!tpu.dma_semaphore, #tpu.memory_space<semaphore_mem>>)
      %dma_wait3A_34 = tpu.memref_slice %arg3[%add3A] : memref<327680xi32, #tpu.memory_space<hbm>> -> memref<128xi32, #tpu.memory_space<hbm>>
      %dma_wait3A_35 = tpu.memref_slice %arg3[%add3A] : memref<327680xi32, #tpu.memory_space<hbm>> -> memref<128xi32, #tpu.memory_space<hbm>>
      tpu.wait_dma2 semaphore(%run_scoped3A : memref<!tpu.dma_semaphore, #tpu.memory_space<semaphore_mem>>) src(%dma_wait3A_35 : memref<128xi32, #tpu.memory_space<hbm>>) dst(%arg7 : memref<128xi32, #tpu.memory_space<vmem>>)
      tpu.yield
    }) : () -> ()
    "tpu.region"() ({
      %run_scoped3A = tpu.sem_alloc : memref<!tpu.dma_semaphore, #tpu.memory_space<semaphore_mem>>
      %dma_start3A_32 = tpu.memref_slice %arg4[%add3A] : memref<327680xi32, #tpu.memory_space<hbm>> -> memref<128xi32, #tpu.memory_space<hbm>>
      %dma_start3A_33 = tpu.memref_slice %arg4[%add3A] : memref<327680xi32, #tpu.memory_space<hbm>> -> memref<128xi32, #tpu.memory_space<hbm>>
      tpu.enqueue_dma source(%dma_start3A_33 : memref<128xi32, #tpu.memory_space<hbm>>) target(%arg9 : memref<128xi32, #tpu.memory_space<vmem>>) target_semaphore(%run_scoped3A : memref<!tpu.dma_semaphore, #tpu.memory_space<semaphore_mem>>)
      %dma_wait3A_34 = tpu.memref_slice %arg4[%add3A] : memref<327680xi32, #tpu.memory_space<hbm>> -> memref<128xi32, #tpu.memory_space<hbm>>
      %dma_wait3A_35 = tpu.memref_slice %arg4[%add3A] : memref<327680xi32, #tpu.memory_space<hbm>> -> memref<128xi32, #tpu.memory_space<hbm>>
      tpu.wait_dma2 semaphore(%run_scoped3A : memref<!tpu.dma_semaphore, #tpu.memory_space<semaphore_mem>>) src(%dma_wait3A_35 : memref<128xi32, #tpu.memory_space<hbm>>) dst(%arg9 : memref<128xi32, #tpu.memory_space<vmem>>)
      tpu.yield
    }) : () -> ()
    %dma_start3A = arith.constant 0 : i32
    %dma_start3A_17 = arith.constant 0 : i32
    %dma_start3A_18 = tpu.memref_slice %arg2[%dma_start3A, %dma_start3A_17] : memref<10240x128xf32, #tpu.memory_space<hbm>> -> memref<10240x128xf32, #tpu.memory_space<hbm>>
    tpu.enqueue_indirect_dma source(%dma_start3A_18 : memref<10240x128xf32, #tpu.memory_space<hbm>>) target(%arg11 : memref<128x128xf32, #tpu.memory_space<vmem>>) offsets(%arg7 : memref<128xi32, #tpu.memory_space<vmem>>) semaphore(%arg17 : memref<!tpu.dma_semaphore, #tpu.memory_space<semaphore_mem>>)
    %scan3A_19 = arith.constant 0 : i32
    %scan3A_20 = arith.constant 40 : i32
    %scan3A_21 = arith.addi %scan3A_19, %scan3A_20 : i32
    %scan3A_22 = arith.constant 1 : i32
    scf.for %scan3A_32 = %scan3A_19 to %scan3A_21 step %scan3A_22  : i32 {
      %mul3A_33 = arith.constant 1 : i32
      %mul3A_34 = arith.muli %scan3A_32, %mul3A_33 : i32
      %add3A_35 = arith.constant 0 : i32
      %add3A_36 = arith.addi %add3A_35, %mul3A_34 : i32
      %mul3A_37 = arith.constant 2 : i32
      %mul3A_38 = arith.muli %mul3A_37, %add3A_36 : i32
      %mul3A_39 = arith.constant 128 : i32
      %mul3A_40 = arith.muli %mul3A_38, %mul3A_39 : i32
      %add3A_41 = arith.addi %add3A, %mul3A_40 : i32
      %add3A_42 = arith.constant 128 : i32
      %add3A_43 = arith.addi %add3A_41, %add3A_42 : i32
      %mul3A_44 = arith.constant 2 : i32
      %mul3A_45 = arith.muli %mul3A_44, %add3A_36 : i32
      %add3A_46 = arith.constant 2 : i32
      %add3A_47 = arith.addi %mul3A_45, %add3A_46 : i32
      %lt3A = arith.constant 80 : i32
      %lt3A_48 = arith.cmpi slt, %add3A_47, %lt3A : i32
      %add3A_49 = arith.constant 256 : i32
      %add3A_50 = arith.addi %add3A_41, %add3A_49 : i32
      %select_n3A = arith.select %lt3A_48, %add3A_50, %add3A : i32
      "tpu.region"() ({
        %run_scoped3A = tpu.sem_alloc : memref<!tpu.dma_semaphore, #tpu.memory_space<semaphore_mem>>
        %dma_start3A_63 = tpu.memref_slice %arg3[%add3A_43] : memref<327680xi32, #tpu.memory_space<hbm>> -> memref<128xi32, #tpu.memory_space<hbm>>
        %dma_start3A_64 = tpu.memref_slice %arg3[%add3A_43] : memref<327680xi32, #tpu.memory_space<hbm>> -> memref<128xi32, #tpu.memory_space<hbm>>
        tpu.enqueue_dma source(%dma_start3A_64 : memref<128xi32, #tpu.memory_space<hbm>>) target(%arg8 : memref<128xi32, #tpu.memory_space<vmem>>) target_semaphore(%run_scoped3A : memref<!tpu.dma_semaphore, #tpu.memory_space<semaphore_mem>>)
        %dma_wait3A_65 = tpu.memref_slice %arg3[%add3A_43] : memref<327680xi32, #tpu.memory_space<hbm>> -> memref<128xi32, #tpu.memory_space<hbm>>
        %dma_wait3A_66 = tpu.memref_slice %arg3[%add3A_43] : memref<327680xi32, #tpu.memory_space<hbm>> -> memref<128xi32, #tpu.memory_space<hbm>>
        tpu.wait_dma2 semaphore(%run_scoped3A : memref<!tpu.dma_semaphore, #tpu.memory_space<semaphore_mem>>) src(%dma_wait3A_66 : memref<128xi32, #tpu.memory_space<hbm>>) dst(%arg8 : memref<128xi32, #tpu.memory_space<vmem>>)
        tpu.yield
      }) : () -> ()
      "tpu.region"() ({
        %run_scoped3A = tpu.sem_alloc : memref<!tpu.dma_semaphore, #tpu.memory_space<semaphore_mem>>
        %dma_start3A_63 = tpu.memref_slice %arg4[%add3A_43] : memref<327680xi32, #tpu.memory_space<hbm>> -> memref<128xi32, #tpu.memory_space<hbm>>
        %dma_start3A_64 = tpu.memref_slice %arg4[%add3A_43] : memref<327680xi32, #tpu.memory_space<hbm>> -> memref<128xi32, #tpu.memory_space<hbm>>
        tpu.enqueue_dma source(%dma_start3A_64 : memref<128xi32, #tpu.memory_space<hbm>>) target(%arg10 : memref<128xi32, #tpu.memory_space<vmem>>) target_semaphore(%run_scoped3A : memref<!tpu.dma_semaphore, #tpu.memory_space<semaphore_mem>>)
        %dma_wait3A_65 = tpu.memref_slice %arg4[%add3A_43] : memref<327680xi32, #tpu.memory_space<hbm>> -> memref<128xi32, #tpu.memory_space<hbm>>
        %dma_wait3A_66 = tpu.memref_slice %arg4[%add3A_43] : memref<327680xi32, #tpu.memory_space<hbm>> -> memref<128xi32, #tpu.memory_space<hbm>>
        tpu.wait_dma2 semaphore(%run_scoped3A : memref<!tpu.dma_semaphore, #tpu.memory_space<semaphore_mem>>) src(%dma_wait3A_66 : memref<128xi32, #tpu.memory_space<hbm>>) dst(%arg10 : memref<128xi32, #tpu.memory_space<vmem>>)
        tpu.yield
      }) : () -> ()
      %dma_wait3A_51 = arith.constant 0 : i32
      %dma_wait3A_52 = arith.constant 0 : i32
      %dma_wait3A_53 = tpu.memref_slice %arg2[%dma_wait3A_51, %dma_wait3A_52] : memref<10240x128xf32, #tpu.memory_space<hbm>> -> memref<10240x128xf32, #tpu.memory_space<hbm>>
      tpu.wait_indirect_dma semaphore(%arg17 : memref<!tpu.dma_semaphore, #tpu.memory_space<semaphore_mem>>) src(%dma_wait3A_53 : memref<10240x128xf32, #tpu.memory_space<hbm>>) dst(%arg11 : memref<128x128xf32, #tpu.memory_space<vmem>>)
      %dma_start3A_54 = arith.constant 0 : i32
      %dma_start3A_55 = arith.constant 0 : i32
      %dma_start3A_56 = tpu.memref_slice %arg2[%dma_start3A_54, %dma_start3A_55] : memref<10240x128xf32, #tpu.memory_space<hbm>> -> memref<10240x128xf32, #tpu.memory_space<hbm>>
      tpu.enqueue_indirect_dma source(%dma_start3A_56 : memref<10240x128xf32, #tpu.memory_space<hbm>>) target(%arg12 : memref<128x128xf32, #tpu.memory_space<vmem>>) offsets(%arg8 : memref<128xi32, #tpu.memory_space<vmem>>) semaphore(%arg18 : memref<!tpu.dma_semaphore, #tpu.memory_space<semaphore_mem>>)
      "tpu.region"() ({
        %run_scoped3A = tpu.sem_alloc : memref<!tpu.dma_semaphore, #tpu.memory_space<semaphore_mem>>
        %dma_start3A_63 = arith.constant 0 : i32
        %dma_start3A_64 = arith.constant 0 : i32
        %dma_start3A_65 = tpu.memref_slice %arg14[%dma_start3A_63, %dma_start3A_64] : memref<10240x128xf32, #tpu.memory_space<vmem_shared>> -> memref<10240x128xf32, #tpu.memory_space<vmem_shared>>
        tpu.enqueue_indirect_dma source(%arg11 : memref<128x128xf32, #tpu.memory_space<vmem>>) target(%dma_start3A_65 : memref<10240x128xf32, #tpu.memory_space<vmem_shared>>) offsets(%arg9 : memref<128xi32, #tpu.memory_space<vmem>>) semaphore(%run_scoped3A : memref<!tpu.dma_semaphore, #tpu.memory_space<semaphore_mem>>) {add = true}
        %dma_wait3A_66 = arith.constant 0 : i32
        %dma_wait3A_67 = arith.constant 0 : i32
        %dma_wait3A_68 = tpu.memref_slice %arg14[%dma_wait3A_66, %dma_wait3A_67] : memref<10240x128xf32, #tpu.memory_space<vmem_shared>> -> memref<10240x128xf32, #tpu.memory_space<vmem_shared>>
        tpu.wait_indirect_dma semaphore(%run_scoped3A : memref<!tpu.dma_semaphore, #tpu.memory_space<semaphore_mem>>) src(%arg11 : memref<128x128xf32, #tpu.memory_space<vmem>>) dst(%dma_wait3A_68 : memref<10240x128xf32, #tpu.memory_space<vmem_shared>>)
        tpu.yield
      }) : () -> ()
      "tpu.region"() ({
        %run_scoped3A = tpu.sem_alloc : memref<!tpu.dma_semaphore, #tpu.memory_space<semaphore_mem>>
        %dma_start3A_63 = tpu.memref_slice %arg3[%select_n3A] : memref<327680xi32, #tpu.memory_space<hbm>> -> memref<128xi32, #tpu.memory_space<hbm>>
        %dma_start3A_64 = tpu.memref_slice %arg3[%select_n3A] : memref<327680xi32, #tpu.memory_space<hbm>> -> memref<128xi32, #tpu.memory_space<hbm>>
        tpu.enqueue_dma source(%dma_start3A_64 : memref<128xi32, #tpu.memory_space<hbm>>) target(%arg7 : memref<128xi32, #tpu.memory_space<vmem>>) target_semaphore(%run_scoped3A : memref<!tpu.dma_semaphore, #tpu.memory_space<semaphore_mem>>)
        %dma_wait3A_65 = tpu.memref_slice %arg3[%select_n3A] : memref<327680xi32, #tpu.memory_space<hbm>> -> memref<128xi32, #tpu.memory_space<hbm>>
        %dma_wait3A_66 = tpu.memref_slice %arg3[%select_n3A] : memref<327680xi32, #tpu.memory_space<hbm>> -> memref<128xi32, #tpu.memory_space<hbm>>
        tpu.wait_dma2 semaphore(%run_scoped3A : memref<!tpu.dma_semaphore, #tpu.memory_space<semaphore_mem>>) src(%dma_wait3A_66 : memref<128xi32, #tpu.memory_space<hbm>>) dst(%arg7 : memref<128xi32, #tpu.memory_space<vmem>>)
        tpu.yield
      }) : () -> ()
      "tpu.region"() ({
        %run_scoped3A = tpu.sem_alloc : memref<!tpu.dma_semaphore, #tpu.memory_space<semaphore_mem>>
        %dma_start3A_63 = tpu.memref_slice %arg4[%select_n3A] : memref<327680xi32, #tpu.memory_space<hbm>> -> memref<128xi32, #tpu.memory_space<hbm>>
        %dma_start3A_64 = tpu.memref_slice %arg4[%select_n3A] : memref<327680xi32, #tpu.memory_space<hbm>> -> memref<128xi32, #tpu.memory_space<hbm>>
        tpu.enqueue_dma source(%dma_start3A_64 : memref<128xi32, #tpu.memory_space<hbm>>) target(%arg9 : memref<128xi32, #tpu.memory_space<vmem>>) target_semaphore(%run_scoped3A : memref<!tpu.dma_semaphore, #tpu.memory_space<semaphore_mem>>)
        %dma_wait3A_65 = tpu.memref_slice %arg4[%select_n3A] : memref<327680xi32, #tpu.memory_space<hbm>> -> memref<128xi32, #tpu.memory_space<hbm>>
        %dma_wait3A_66 = tpu.memref_slice %arg4[%select_n3A] : memref<327680xi32, #tpu.memory_space<hbm>> -> memref<128xi32, #tpu.memory_space<hbm>>
        tpu.wait_dma2 semaphore(%run_scoped3A : memref<!tpu.dma_semaphore, #tpu.memory_space<semaphore_mem>>) src(%dma_wait3A_66 : memref<128xi32, #tpu.memory_space<hbm>>) dst(%arg9 : memref<128xi32, #tpu.memory_space<vmem>>)
        tpu.yield
      }) : () -> ()
      %dma_start3A_57 = arith.constant 0 : i32
      %dma_start3A_58 = arith.constant 0 : i32
      %dma_start3A_59 = tpu.memref_slice %arg2[%dma_start3A_57, %dma_start3A_58] : memref<10240x128xf32, #tpu.memory_space<hbm>> -> memref<10240x128xf32, #tpu.memory_space<hbm>>
      tpu.enqueue_indirect_dma source(%dma_start3A_59 : memref<10240x128xf32, #tpu.memory_space<hbm>>) target(%arg11 : memref<128x128xf32, #tpu.memory_space<vmem>>) offsets(%arg7 : memref<128xi32, #tpu.memory_space<vmem>>) semaphore(%arg17 : memref<!tpu.dma_semaphore, #tpu.memory_space<semaphore_mem>>)
      %dma_wait3A_60 = arith.constant 0 : i32
      %dma_wait3A_61 = arith.constant 0 : i32
      %dma_wait3A_62 = tpu.memref_slice %arg2[%dma_wait3A_60, %dma_wait3A_61] : memref<10240x128xf32, #tpu.memory_space<hbm>> -> memref<10240x128xf32, #tpu.memory_space<hbm>>
      tpu.wait_indirect_dma semaphore(%arg18 : memref<!tpu.dma_semaphore, #tpu.memory_space<semaphore_mem>>) src(%dma_wait3A_62 : memref<10240x128xf32, #tpu.memory_space<hbm>>) dst(%arg12 : memref<128x128xf32, #tpu.memory_space<vmem>>)
      "tpu.region"() ({
        %run_scoped3A = tpu.sem_alloc : memref<!tpu.dma_semaphore, #tpu.memory_space<semaphore_mem>>
        %dma_start3A_63 = arith.constant 0 : i32
        %dma_start3A_64 = arith.constant 0 : i32
        %dma_start3A_65 = tpu.memref_slice %arg14[%dma_start3A_63, %dma_start3A_64] : memref<10240x128xf32, #tpu.memory_space<vmem_shared>> -> memref<10240x128xf32, #tpu.memory_space<vmem_shared>>
        tpu.enqueue_indirect_dma source(%arg12 : memref<128x128xf32, #tpu.memory_space<vmem>>) target(%dma_start3A_65 : memref<10240x128xf32, #tpu.memory_space<vmem_shared>>) offsets(%arg10 : memref<128xi32, #tpu.memory_space<vmem>>) semaphore(%run_scoped3A : memref<!tpu.dma_semaphore, #tpu.memory_space<semaphore_mem>>) {add = true}
        %dma_wait3A_66 = arith.constant 0 : i32
        %dma_wait3A_67 = arith.constant 0 : i32
        %dma_wait3A_68 = tpu.memref_slice %arg14[%dma_wait3A_66, %dma_wait3A_67] : memref<10240x128xf32, #tpu.memory_space<vmem_shared>> -> memref<10240x128xf32, #tpu.memory_space<vmem_shared>>
        tpu.wait_indirect_dma semaphore(%run_scoped3A : memref<!tpu.dma_semaphore, #tpu.memory_space<semaphore_mem>>) src(%arg12 : memref<128x128xf32, #tpu.memory_space<vmem>>) dst(%dma_wait3A_68 : memref<10240x128xf32, #tpu.memory_space<vmem_shared>>)
        tpu.yield
      }) : () -> ()
    }
    %scan3A_23 = arith.constant 40 : i32
    %dma_wait3A = arith.constant 0 : i32
    %dma_wait3A_24 = arith.constant 0 : i32
    %dma_wait3A_25 = tpu.memref_slice %arg2[%dma_wait3A, %dma_wait3A_24] : memref<10240x128xf32, #tpu.memory_space<hbm>> -> memref<10240x128xf32, #tpu.memory_space<hbm>>
    tpu.wait_indirect_dma semaphore(%arg17 : memref<!tpu.dma_semaphore, #tpu.memory_space<semaphore_mem>>) src(%dma_wait3A_25 : memref<10240x128xf32, #tpu.memory_space<hbm>>) dst(%arg11 : memref<128x128xf32, #tpu.memory_space<vmem>>)
    "tpu.trace_stop"() : () -> ()
    %barrier3A_26 = arith.constant 0 : index
    tpu.barrier barrier_id(%barrier3A_26)
    "tpu.trace_start"() <{level = 10 : i32, message = "ph_partrb"}> : () -> ()
    %scan3A_27 = arith.constant 0 : i32
    %scan3A_28 = arith.constant 5 : i32
    %scan3A_29 = arith.addi %scan3A_27, %scan3A_28 : i32
    %scan3A_30 = arith.constant 1 : i32
    scf.for %scan3A_32 = %scan3A_27 to %scan3A_29 step %scan3A_30  : i32 {
      %mul3A_33 = arith.constant 1 : i32
      %mul3A_34 = arith.muli %scan3A_32, %mul3A_33 : i32
      %add3A_35 = arith.constant 0 : i32
      %add3A_36 = arith.addi %add3A_35, %mul3A_34 : i32
      %mul3A_37 = arith.constant 128 : i32
      %mul3A_38 = arith.muli %add3A_36, %mul3A_37 : i32
      %add3A_39 = arith.addi %mul3A_0, %mul3A_38 : i32
      "tpu.region"() ({
        %run_scoped3A = tpu.sem_alloc : memref<!tpu.dma_semaphore, #tpu.memory_space<semaphore_mem>>
        %dma_start3A_43 = tpu.memref_slice %arg5[%add3A_39] : memref<10240xi32, #tpu.memory_space<hbm>> -> memref<128xi32, #tpu.memory_space<hbm>>
        %dma_start3A_44 = tpu.memref_slice %arg5[%add3A_39] : memref<10240xi32, #tpu.memory_space<hbm>> -> memref<128xi32, #tpu.memory_space<hbm>>
        tpu.enqueue_dma source(%dma_start3A_44 : memref<128xi32, #tpu.memory_space<hbm>>) target(%arg13 : memref<128xi32, #tpu.memory_space<vmem>>) target_semaphore(%run_scoped3A : memref<!tpu.dma_semaphore, #tpu.memory_space<semaphore_mem>>)
        %dma_wait3A_45 = tpu.memref_slice %arg5[%add3A_39] : memref<10240xi32, #tpu.memory_space<hbm>> -> memref<128xi32, #tpu.memory_space<hbm>>
        %dma_wait3A_46 = tpu.memref_slice %arg5[%add3A_39] : memref<10240xi32, #tpu.memory_space<hbm>> -> memref<128xi32, #tpu.memory_space<hbm>>
        tpu.wait_dma2 semaphore(%run_scoped3A : memref<!tpu.dma_semaphore, #tpu.memory_space<semaphore_mem>>) src(%dma_wait3A_46 : memref<128xi32, #tpu.memory_space<hbm>>) dst(%arg13 : memref<128xi32, #tpu.memory_space<vmem>>)
        tpu.yield
      }) : () -> ()
      "tpu.region"() ({
        %run_scoped3A = tpu.sem_alloc : memref<!tpu.dma_semaphore, #tpu.memory_space<semaphore_mem>>
        %dma_start3A_43 = arith.constant 0 : i32
        %dma_start3A_44 = arith.constant 0 : i32
        %dma_start3A_45 = tpu.memref_slice %arg14[%dma_start3A_43, %dma_start3A_44] : memref<10240x128xf32, #tpu.memory_space<vmem_shared>> -> memref<10240x128xf32, #tpu.memory_space<vmem_shared>>
        tpu.enqueue_indirect_dma source(%dma_start3A_45 : memref<10240x128xf32, #tpu.memory_space<vmem_shared>>) target(%arg11 : memref<128x128xf32, #tpu.memory_space<vmem>>) offsets(%arg13 : memref<128xi32, #tpu.memory_space<vmem>>) semaphore(%run_scoped3A : memref<!tpu.dma_semaphore, #tpu.memory_space<semaphore_mem>>)
        %dma_wait3A_46 = arith.constant 0 : i32
        %dma_wait3A_47 = arith.constant 0 : i32
        %dma_wait3A_48 = tpu.memref_slice %arg14[%dma_wait3A_46, %dma_wait3A_47] : memref<10240x128xf32, #tpu.memory_space<vmem_shared>> -> memref<10240x128xf32, #tpu.memory_space<vmem_shared>>
        tpu.wait_indirect_dma semaphore(%run_scoped3A : memref<!tpu.dma_semaphore, #tpu.memory_space<semaphore_mem>>) src(%dma_wait3A_48 : memref<10240x128xf32, #tpu.memory_space<vmem_shared>>) dst(%arg11 : memref<128x128xf32, #tpu.memory_space<vmem>>)
        tpu.yield
      }) : () -> ()
      %mul3A_40 = arith.constant 10240 : i32
      %mul3A_41 = arith.muli %arg0, %mul3A_40 : i32
      %add3A_42 = arith.addi %mul3A_41, %add3A_39 : i32
      "tpu.region"() ({
        %run_scoped3A = tpu.sem_alloc : memref<!tpu.dma_semaphore, #tpu.memory_space<semaphore_mem>>
        %dma_start3A_43 = arith.constant 0 : i32
        %dma_start3A_44 = tpu.memref_slice %arg6[%add3A_42, %dma_start3A_43] : memref<20480x128xf32, #tpu.memory_space<hbm>> -> memref<128x128xf32, #tpu.memory_space<hbm>>
        %dma_start3A_45 = arith.constant 0 : i32
        %dma_start3A_46 = tpu.memref_slice %arg6[%add3A_42, %dma_start3A_45] : memref<20480x128xf32, #tpu.memory_space<hbm>> -> memref<128x128xf32, #tpu.memory_space<hbm>>
        tpu.enqueue_dma source(%arg11 : memref<128x128xf32, #tpu.memory_space<vmem>>) target(%dma_start3A_46 : memref<128x128xf32, #tpu.memory_space<hbm>>) target_semaphore(%run_scoped3A : memref<!tpu.dma_semaphore, #tpu.memory_space<semaphore_mem>>)
        %dma_wait3A_47 = arith.constant 0 : i32
        %dma_wait3A_48 = tpu.memref_slice %arg6[%add3A_42, %dma_wait3A_47] : memref<20480x128xf32, #tpu.memory_space<hbm>> -> memref<128x128xf32, #tpu.memory_space<hbm>>
        %dma_wait3A_49 = arith.constant 0 : i32
        %dma_wait3A_50 = tpu.memref_slice %arg6[%add3A_42, %dma_wait3A_49] : memref<20480x128xf32, #tpu.memory_space<hbm>> -> memref<128x128xf32, #tpu.memory_space<hbm>>
        tpu.wait_dma2 semaphore(%run_scoped3A : memref<!tpu.dma_semaphore, #tpu.memory_space<semaphore_mem>>) src(%arg11 : memref<128x128xf32, #tpu.memory_space<vmem>>) dst(%dma_wait3A_50 : memref<128x128xf32, #tpu.memory_space<hbm>>)
        tpu.yield
      }) : () -> ()
    }
    %scan3A_31 = arith.constant 5 : i32
    "tpu.trace_stop"() : () -> ()
    return
  }
}

module attributes {stable_mosaic.version = 14 : i64} {
  func.func @body(%arg0: i32, %arg1: memref<1280x128xf32, #tpu.memory_space<vmem>>, %arg2: memref<128x128xf32, #tpu.memory_space<vmem>>, %arg3: memref<128x128xf32, #tpu.memory_space<vmem>>, %arg4: memref<1x128xf32, #tpu.memory_space<vmem>>, %arg5: memref<1280x128xf32, #tpu.memory_space<vmem>>, %arg6: memref<1280x128xf32, #tpu.memory_space<vmem>>) attributes {dimension_semantics = [#tpu.dimension_semantics<arbitrary>], iteration_bounds = array<i64: 8>, scalar_prefetch = 0 : i64, scratch_operands = 0 : i64, tpu.core_type = #tpu.core_type<tc>, window_params = [{transform_indices = @transform_0, window_bounds = array<i64: 1280, 128>}, {pipeline_mode = #tpu.pipeline_mode<synchronous>, transform_indices = @transform_1, window_bounds = array<i64: 128, 128>}, {pipeline_mode = #tpu.pipeline_mode<synchronous>, transform_indices = @transform_2, window_bounds = array<i64: 128, 128>}, {pipeline_mode = #tpu.pipeline_mode<synchronous>, transform_indices = @transform_3, window_bounds = array<i64: 1, 128>}, {transform_indices = @transform_4, window_bounds = array<i64: 1280, 128>}, {transform_indices = @transform_5, window_bounds = array<i64: 1280, 128>}]} {
    %get3A = arith.constant 0 : index
    %get3A_0 = arith.constant 0 : index
    %get3A_1 = vector.load %arg1[%get3A, %get3A_0] : memref<1280x128xf32, #tpu.memory_space<vmem>>, vector<1280x128xf32>
    %get3A_2 = arith.constant 0 : index
    %get3A_3 = arith.constant 0 : index
    %get3A_4 = vector.load %arg2[%get3A_2, %get3A_3] : memref<128x128xf32, #tpu.memory_space<vmem>>, vector<128x128xf32>
    %dot_general3A = arith.constant dense<0.000000e+00> : vector<1280x128xf32>
    %dot_general3A_5 = tpu.matmul %get3A_1, %get3A_4, %dot_general3A {dimension_numbers = #tpu.dot_dimension_numbers<[1], [0], [0], [1], [0, 0, 1, 1], [], []>, precision = #tpu.contract_precision<fp32>, transpose_lhs_hint = false} : vector<1280x128xf32>, vector<128x128xf32>, vector<1280x128xf32> -> vector<1280x128xf32>
    %swap3A = arith.constant 0 : index
    %swap3A_6 = arith.constant 0 : index
    %swap3A_7 = vector.load %arg5[%swap3A, %swap3A_6] : memref<1280x128xf32, #tpu.memory_space<vmem>>, vector<1280x128xf32>
    tpu.vector_store %arg5[%swap3A, %swap3A_6], %dot_general3A_5 {strides = array<i32>} : memref<1280x128xf32, #tpu.memory_space<vmem>>, vector<1280x128xf32>,
    %get3A_8 = arith.constant 0 : index
    %get3A_9 = arith.constant 0 : index
    %get3A_10 = vector.load %arg3[%get3A_8, %get3A_9] : memref<128x128xf32, #tpu.memory_space<vmem>>, vector<128x128xf32>
    %dot_general3A_11 = arith.constant dense<0.000000e+00> : vector<1280x128xf32>
    %dot_general3A_12 = tpu.matmul %get3A_1, %get3A_10, %dot_general3A_11 {dimension_numbers = #tpu.dot_dimension_numbers<[1], [0], [0], [1], [0, 0, 1, 1], [], []>, precision = #tpu.contract_precision<fp32>, transpose_lhs_hint = false} : vector<1280x128xf32>, vector<128x128xf32>, vector<1280x128xf32> -> vector<1280x128xf32>
    %get3A_13 = arith.constant 0 : index
    %get3A_14 = arith.constant 0 : index
    %get3A_15 = vector.load %arg4[%get3A_13, %get3A_14] : memref<1x128xf32, #tpu.memory_space<vmem>>, vector<1x128xf32>
    %add3A = vector.broadcast %get3A_15 : vector<1x128xf32> to vector<1280x128xf32>
    %add3A_16 = arith.addf %dot_general3A_12, %add3A : vector<1280x128xf32>
    %swap3A_17 = arith.constant 0 : index
    %swap3A_18 = arith.constant 0 : index
    %swap3A_19 = vector.load %arg6[%swap3A_17, %swap3A_18] : memref<1280x128xf32, #tpu.memory_space<vmem>>, vector<1280x128xf32>
    tpu.vector_store %arg6[%swap3A_17, %swap3A_18], %add3A_16 {strides = array<i32>} : memref<1280x128xf32, #tpu.memory_space<vmem>>, vector<1280x128xf32>,
    return
  }
  func.func @transform_0(%arg0: i32) -> (i32, i32) {
    %c0_i32 = arith.constant 0 : i32
    %c0_i32_0 = arith.constant 0 : i32
    return %arg0, %c0_i32 : i32, i32
  }
  func.func @transform_1(%arg0: i32) -> (i32, i32) {
    %c0_i32 = arith.constant 0 : i32
    %c0_i32_0 = arith.constant 0 : i32
    %c0_i32_1 = arith.constant 0 : i32
    return %c0_i32, %c0_i32_0 : i32, i32
  }
  func.func @transform_2(%arg0: i32) -> (i32, i32) {
    %c0_i32 = arith.constant 0 : i32
    %c0_i32_0 = arith.constant 0 : i32
    %c0_i32_1 = arith.constant 0 : i32
    return %c0_i32, %c0_i32_0 : i32, i32
  }
  func.func @transform_3(%arg0: i32) -> (i32, i32) {
    %c0_i32 = arith.constant 0 : i32
    %c0_i32_0 = arith.constant 0 : i32
    %c0_i32_1 = arith.constant 0 : i32
    return %c0_i32, %c0_i32_0 : i32, i32
  }
  func.func @transform_4(%arg0: i32) -> (i32, i32) {
    %c0_i32 = arith.constant 0 : i32
    %c0_i32_0 = arith.constant 0 : i32
    return %arg0, %c0_i32 : i32, i32
  }
  func.func @transform_5(%arg0: i32) -> (i32, i32) {
    %c0_i32 = arith.constant 0 : i32
    %c0_i32_0 = arith.constant 0 : i32
    return %arg0, %c0_i32 : i32, i32
  }
}

module attributes {stable_mosaic.version = 14 : i64} {
  func.func @body(%arg0: i32, %arg1: memref<1280x128xf32, #tpu.memory_space<vmem>>, %arg2: memref<1280x128xf32, #tpu.memory_space<vmem>>, %arg3: memref<1280x128xf32, #tpu.memory_space<vmem>>, %arg4: memref<1280x128xf32, #tpu.memory_space<vmem>>, %arg5: memref<1280x128xf32, #tpu.memory_space<vmem>>, %arg6: memref<128x128xf32, #tpu.memory_space<vmem>>, %arg7: memref<128x128xf32, #tpu.memory_space<vmem>>, %arg8: memref<1x128xf32, #tpu.memory_space<vmem>>, %arg9: memref<1280x128xf32, #tpu.memory_space<vmem>>, %arg10: memref<1280x128xf32, #tpu.memory_space<vmem>>) attributes {dimension_semantics = [#tpu.dimension_semantics<arbitrary>], iteration_bounds = array<i64: 8>, scalar_prefetch = 0 : i64, scratch_operands = 0 : i64, tpu.core_type = #tpu.core_type<tc>, window_params = [{transform_indices = @transform_0, window_bounds = array<i64: 1280, 128>}, {transform_indices = @transform_1, window_bounds = array<i64: 1280, 128>}, {transform_indices = @transform_2, window_bounds = array<i64: 1280, 128>}, {transform_indices = @transform_3, window_bounds = array<i64: 1280, 128>}, {transform_indices = @transform_4, window_bounds = array<i64: 1280, 128>}, {pipeline_mode = #tpu.pipeline_mode<synchronous>, transform_indices = @transform_5, window_bounds = array<i64: 128, 128>}, {pipeline_mode = #tpu.pipeline_mode<synchronous>, transform_indices = @transform_6, window_bounds = array<i64: 128, 128>}, {pipeline_mode = #tpu.pipeline_mode<synchronous>, transform_indices = @transform_7, window_bounds = array<i64: 1, 128>}, {transform_indices = @transform_8, window_bounds = array<i64: 1280, 128>}, {transform_indices = @transform_9, window_bounds = array<i64: 1280, 128>}]} {
    %get3A = arith.constant 0 : index
    %get3A_0 = arith.constant 0 : index
    %get3A_1 = vector.load %arg4[%get3A, %get3A_0] : memref<1280x128xf32, #tpu.memory_space<vmem>>, vector<1280x128xf32>
    %slice3A = vector.extract_strided_slice %get3A_1 {offsets = [0, 0], sizes = [1280, 1], strides = [1, 1]} : vector<1280x128xf32> to vector<1280x1xf32>
    %get3A_2 = arith.constant 0 : index
    %get3A_3 = arith.constant 0 : index
    %get3A_4 = vector.load %arg5[%get3A_2, %get3A_3] : memref<1280x128xf32, #tpu.memory_space<vmem>>, vector<1280x128xf32>
    %slice3A_5 = vector.extract_strided_slice %get3A_4 {offsets = [0, 0], sizes = [1280, 1], strides = [1, 1]} : vector<1280x128xf32> to vector<1280x1xf32>
    %add3A = arith.addf %slice3A, %slice3A_5 : vector<1280x1xf32>
    %max3A = arith.constant 1.000000e+00 : f32
    %max3A_6 = vector.broadcast %max3A : f32 to vector<1280x1xf32>
    %max3A_7 = arith.maximumf %add3A, %max3A_6 : vector<1280x1xf32>
    %div3A = arith.constant 1.000000e+00 : f32
    %div3A_8 = vector.broadcast %div3A : f32 to vector<1280x1xf32>
    %div3A_9 = arith.divf %div3A_8, %max3A_7 : vector<1280x1xf32>
    %get3A_10 = arith.constant 0 : index
    %get3A_11 = arith.constant 0 : index
    %get3A_12 = vector.load %arg1[%get3A_10, %get3A_11] : memref<1280x128xf32, #tpu.memory_space<vmem>>, vector<1280x128xf32>
    %get3A_13 = arith.constant 0 : index
    %get3A_14 = arith.constant 0 : index
    %get3A_15 = vector.load %arg2[%get3A_13, %get3A_14] : memref<1280x128xf32, #tpu.memory_space<vmem>>, vector<1280x128xf32>
    %add3A_16 = arith.addf %get3A_12, %get3A_15 : vector<1280x128xf32>
    %mul3A = vector.broadcast %div3A_9 : vector<1280x1xf32> to vector<1280x128xf32>
    %mul3A_17 = arith.mulf %add3A_16, %mul3A : vector<1280x128xf32>
    %get3A_18 = arith.constant 0 : index
    %get3A_19 = arith.constant 0 : index
    %get3A_20 = vector.load %arg3[%get3A_18, %get3A_19] : memref<1280x128xf32, #tpu.memory_space<vmem>>, vector<1280x128xf32>
    %add3A_21 = arith.addf %mul3A_17, %get3A_20 : vector<1280x128xf32>
    %max3A_22 = arith.constant 0.000000e+00 : f32
    %max3A_23 = vector.broadcast %max3A_22 : f32 to vector<1280x128xf32>
    %max3A_24 = arith.maximumf %add3A_21, %max3A_23 : vector<1280x128xf32>
    %get3A_25 = arith.constant 0 : index
    %get3A_26 = arith.constant 0 : index
    %get3A_27 = vector.load %arg6[%get3A_25, %get3A_26] : memref<128x128xf32, #tpu.memory_space<vmem>>, vector<128x128xf32>
    %dot_general3A = arith.constant dense<0.000000e+00> : vector<1280x128xf32>
    %dot_general3A_28 = tpu.matmul %max3A_24, %get3A_27, %dot_general3A {dimension_numbers = #tpu.dot_dimension_numbers<[1], [0], [0], [1], [0, 0, 1, 1], [], []>, precision = #tpu.contract_precision<fp32>, transpose_lhs_hint = false} : vector<1280x128xf32>, vector<128x128xf32>, vector<1280x128xf32> -> vector<1280x128xf32>
    %swap3A = arith.constant 0 : index
    %swap3A_29 = arith.constant 0 : index
    %swap3A_30 = vector.load %arg9[%swap3A, %swap3A_29] : memref<1280x128xf32, #tpu.memory_space<vmem>>, vector<1280x128xf32>
    tpu.vector_store %arg9[%swap3A, %swap3A_29], %dot_general3A_28 {strides = array<i32>} : memref<1280x128xf32, #tpu.memory_space<vmem>>, vector<1280x128xf32>,
    %get3A_31 = arith.constant 0 : index
    %get3A_32 = arith.constant 0 : index
    %get3A_33 = vector.load %arg7[%get3A_31, %get3A_32] : memref<128x128xf32, #tpu.memory_space<vmem>>, vector<128x128xf32>
    %dot_general3A_34 = arith.constant dense<0.000000e+00> : vector<1280x128xf32>
    %dot_general3A_35 = tpu.matmul %max3A_24, %get3A_33, %dot_general3A_34 {dimension_numbers = #tpu.dot_dimension_numbers<[1], [0], [0], [1], [0, 0, 1, 1], [], []>, precision = #tpu.contract_precision<fp32>, transpose_lhs_hint = false} : vector<1280x128xf32>, vector<128x128xf32>, vector<1280x128xf32> -> vector<1280x128xf32>
    %get3A_36 = arith.constant 0 : index
    %get3A_37 = arith.constant 0 : index
    %get3A_38 = vector.load %arg8[%get3A_36, %get3A_37] : memref<1x128xf32, #tpu.memory_space<vmem>>, vector<1x128xf32>
    %add3A_39 = vector.broadcast %get3A_38 : vector<1x128xf32> to vector<1280x128xf32>
    %add3A_40 = arith.addf %dot_general3A_35, %add3A_39 : vector<1280x128xf32>
    %swap3A_41 = arith.constant 0 : index
    %swap3A_42 = arith.constant 0 : index
    %swap3A_43 = vector.load %arg10[%swap3A_41, %swap3A_42] : memref<1280x128xf32, #tpu.memory_space<vmem>>, vector<1280x128xf32>
    tpu.vector_store %arg10[%swap3A_41, %swap3A_42], %add3A_40 {strides = array<i32>} : memref<1280x128xf32, #tpu.memory_space<vmem>>, vector<1280x128xf32>,
    return
  }
  func.func @transform_0(%arg0: i32) -> (i32, i32) {
    %c0_i32 = arith.constant 0 : i32
    %c0_i32_0 = arith.constant 0 : i32
    return %arg0, %c0_i32 : i32, i32
  }
  func.func @transform_1(%arg0: i32) -> (i32, i32) {
    %c0_i32 = arith.constant 0 : i32
    %c0_i32_0 = arith.constant 0 : i32
    return %arg0, %c0_i32 : i32, i32
  }
  func.func @transform_2(%arg0: i32) -> (i32, i32) {
    %c0_i32 = arith.constant 0 : i32
    %c0_i32_0 = arith.constant 0 : i32
    return %arg0, %c0_i32 : i32, i32
  }
  func.func @transform_3(%arg0: i32) -> (i32, i32) {
    %c0_i32 = arith.constant 0 : i32
    %c0_i32_0 = arith.constant 0 : i32
    return %arg0, %c0_i32 : i32, i32
  }
  func.func @transform_4(%arg0: i32) -> (i32, i32) {
    %c0_i32 = arith.constant 0 : i32
    %c0_i32_0 = arith.constant 0 : i32
    return %arg0, %c0_i32 : i32, i32
  }
  func.func @transform_5(%arg0: i32) -> (i32, i32) {
    %c0_i32 = arith.constant 0 : i32
    %c0_i32_0 = arith.constant 0 : i32
    %c0_i32_1 = arith.constant 0 : i32
    return %c0_i32, %c0_i32_0 : i32, i32
  }
  func.func @transform_6(%arg0: i32) -> (i32, i32) {
    %c0_i32 = arith.constant 0 : i32
    %c0_i32_0 = arith.constant 0 : i32
    %c0_i32_1 = arith.constant 0 : i32
    return %c0_i32, %c0_i32_0 : i32, i32
  }
  func.func @transform_7(%arg0: i32) -> (i32, i32) {
    %c0_i32 = arith.constant 0 : i32
    %c0_i32_0 = arith.constant 0 : i32
    %c0_i32_1 = arith.constant 0 : i32
    return %c0_i32, %c0_i32_0 : i32, i32
  }
  func.func @transform_8(%arg0: i32) -> (i32, i32) {
    %c0_i32 = arith.constant 0 : i32
    %c0_i32_0 = arith.constant 0 : i32
    return %arg0, %c0_i32 : i32, i32
  }
  func.func @transform_9(%arg0: i32) -> (i32, i32) {
    %c0_i32 = arith.constant 0 : i32
    %c0_i32_0 = arith.constant 0 : i32
    return %arg0, %c0_i32 : i32, i32
  }
}

module attributes {stable_mosaic.version = 14 : i64} {
  func.func @body(%arg0: i32, %arg1: memref<1280x128xf32, #tpu.memory_space<vmem>>, %arg2: memref<1280x128xf32, #tpu.memory_space<vmem>>, %arg3: memref<1280x128xf32, #tpu.memory_space<vmem>>, %arg4: memref<1280x128xf32, #tpu.memory_space<vmem>>, %arg5: memref<1280x128xf32, #tpu.memory_space<vmem>>, %arg6: memref<128x128xf32, #tpu.memory_space<vmem>>, %arg7: memref<1x128xf32, #tpu.memory_space<vmem>>, %arg8: memref<1280x128xf32, #tpu.memory_space<vmem>>) attributes {dimension_semantics = [#tpu.dimension_semantics<arbitrary>], iteration_bounds = array<i64: 8>, scalar_prefetch = 0 : i64, scratch_operands = 0 : i64, tpu.core_type = #tpu.core_type<tc>, window_params = [{transform_indices = @transform_0, window_bounds = array<i64: 1280, 128>}, {transform_indices = @transform_1, window_bounds = array<i64: 1280, 128>}, {transform_indices = @transform_2, window_bounds = array<i64: 1280, 128>}, {transform_indices = @transform_3, window_bounds = array<i64: 1280, 128>}, {transform_indices = @transform_4, window_bounds = array<i64: 1280, 128>}, {pipeline_mode = #tpu.pipeline_mode<synchronous>, transform_indices = @transform_5, window_bounds = array<i64: 128, 128>}, {pipeline_mode = #tpu.pipeline_mode<synchronous>, transform_indices = @transform_6, window_bounds = array<i64: 1, 128>}, {transform_indices = @transform_7, window_bounds = array<i64: 1280, 128>}]} {
    %get3A = arith.constant 0 : index
    %get3A_0 = arith.constant 0 : index
    %get3A_1 = vector.load %arg4[%get3A, %get3A_0] : memref<1280x128xf32, #tpu.memory_space<vmem>>, vector<1280x128xf32>
    %slice3A = vector.extract_strided_slice %get3A_1 {offsets = [0, 0], sizes = [1280, 1], strides = [1, 1]} : vector<1280x128xf32> to vector<1280x1xf32>
    %get3A_2 = arith.constant 0 : index
    %get3A_3 = arith.constant 0 : index
    %get3A_4 = vector.load %arg5[%get3A_2, %get3A_3] : memref<1280x128xf32, #tpu.memory_space<vmem>>, vector<1280x128xf32>
    %slice3A_5 = vector.extract_strided_slice %get3A_4 {offsets = [0, 0], sizes = [1280, 1], strides = [1, 1]} : vector<1280x128xf32> to vector<1280x1xf32>
    %add3A = arith.addf %slice3A, %slice3A_5 : vector<1280x1xf32>
    %max3A = arith.constant 1.000000e+00 : f32
    %max3A_6 = vector.broadcast %max3A : f32 to vector<1280x1xf32>
    %max3A_7 = arith.maximumf %add3A, %max3A_6 : vector<1280x1xf32>
    %div3A = arith.constant 1.000000e+00 : f32
    %div3A_8 = vector.broadcast %div3A : f32 to vector<1280x1xf32>
    %div3A_9 = arith.divf %div3A_8, %max3A_7 : vector<1280x1xf32>
    %get3A_10 = arith.constant 0 : index
    %get3A_11 = arith.constant 0 : index
    %get3A_12 = vector.load %arg1[%get3A_10, %get3A_11] : memref<1280x128xf32, #tpu.memory_space<vmem>>, vector<1280x128xf32>
    %get3A_13 = arith.constant 0 : index
    %get3A_14 = arith.constant 0 : index
    %get3A_15 = vector.load %arg2[%get3A_13, %get3A_14] : memref<1280x128xf32, #tpu.memory_space<vmem>>, vector<1280x128xf32>
    %add3A_16 = arith.addf %get3A_12, %get3A_15 : vector<1280x128xf32>
    %mul3A = vector.broadcast %div3A_9 : vector<1280x1xf32> to vector<1280x128xf32>
    %mul3A_17 = arith.mulf %add3A_16, %mul3A : vector<1280x128xf32>
    %get3A_18 = arith.constant 0 : index
    %get3A_19 = arith.constant 0 : index
    %get3A_20 = vector.load %arg3[%get3A_18, %get3A_19] : memref<1280x128xf32, #tpu.memory_space<vmem>>, vector<1280x128xf32>
    %add3A_21 = arith.addf %mul3A_17, %get3A_20 : vector<1280x128xf32>
    %max3A_22 = arith.constant 0.000000e+00 : f32
    %max3A_23 = vector.broadcast %max3A_22 : f32 to vector<1280x128xf32>
    %max3A_24 = arith.maximumf %add3A_21, %max3A_23 : vector<1280x128xf32>
    %get3A_25 = arith.constant 0 : index
    %get3A_26 = arith.constant 0 : index
    %get3A_27 = vector.load %arg6[%get3A_25, %get3A_26] : memref<128x128xf32, #tpu.memory_space<vmem>>, vector<128x128xf32>
    %dot_general3A = arith.constant dense<0.000000e+00> : vector<1280x128xf32>
    %dot_general3A_28 = tpu.matmul %max3A_24, %get3A_27, %dot_general3A {dimension_numbers = #tpu.dot_dimension_numbers<[1], [0], [0], [1], [0, 0, 1, 1], [], []>, precision = #tpu.contract_precision<fp32>, transpose_lhs_hint = false} : vector<1280x128xf32>, vector<128x128xf32>, vector<1280x128xf32> -> vector<1280x128xf32>
    %get3A_29 = arith.constant 0 : index
    %get3A_30 = arith.constant 0 : index
    %get3A_31 = vector.load %arg7[%get3A_29, %get3A_30] : memref<1x128xf32, #tpu.memory_space<vmem>>, vector<1x128xf32>
    %add3A_32 = vector.broadcast %get3A_31 : vector<1x128xf32> to vector<1280x128xf32>
    %add3A_33 = arith.addf %dot_general3A_28, %add3A_32 : vector<1280x128xf32>
    %swap3A = arith.constant 0 : index
    %swap3A_34 = arith.constant 0 : index
    %swap3A_35 = vector.load %arg8[%swap3A, %swap3A_34] : memref<1280x128xf32, #tpu.memory_space<vmem>>, vector<1280x128xf32>
    tpu.vector_store %arg8[%swap3A, %swap3A_34], %add3A_33 {strides = array<i32>} : memref<1280x128xf32, #tpu.memory_space<vmem>>, vector<1280x128xf32>,
    return
  }
  func.func @transform_0(%arg0: i32) -> (i32, i32) {
    %c0_i32 = arith.constant 0 : i32
    %c0_i32_0 = arith.constant 0 : i32
    return %arg0, %c0_i32 : i32, i32
  }
  func.func @transform_1(%arg0: i32) -> (i32, i32) {
    %c0_i32 = arith.constant 0 : i32
    %c0_i32_0 = arith.constant 0 : i32
    return %arg0, %c0_i32 : i32, i32
  }
  func.func @transform_2(%arg0: i32) -> (i32, i32) {
    %c0_i32 = arith.constant 0 : i32
    %c0_i32_0 = arith.constant 0 : i32
    return %arg0, %c0_i32 : i32, i32
  }
  func.func @transform_3(%arg0: i32) -> (i32, i32) {
    %c0_i32 = arith.constant 0 : i32
    %c0_i32_0 = arith.constant 0 : i32
    return %arg0, %c0_i32 : i32, i32
  }
  func.func @transform_4(%arg0: i32) -> (i32, i32) {
    %c0_i32 = arith.constant 0 : i32
    %c0_i32_0 = arith.constant 0 : i32
    return %arg0, %c0_i32 : i32, i32
  }
  func.func @transform_5(%arg0: i32) -> (i32, i32) {
    %c0_i32 = arith.constant 0 : i32
    %c0_i32_0 = arith.constant 0 : i32
    %c0_i32_1 = arith.constant 0 : i32
    return %c0_i32, %c0_i32_0 : i32, i32
  }
  func.func @transform_6(%arg0: i32) -> (i32, i32) {
    %c0_i32 = arith.constant 0 : i32
    %c0_i32_0 = arith.constant 0 : i32
    %c0_i32_1 = arith.constant 0 : i32
    return %c0_i32, %c0_i32_0 : i32, i32
  }
  func.func @transform_7(%arg0: i32) -> (i32, i32) {
    %c0_i32 = arith.constant 0 : i32
    %c0_i32_0 = arith.constant 0 : i32
    return %arg0, %c0_i32 : i32, i32
  }
}

</mosaic_0001>

<sc_bundles>
// kernel: kernel.10.cloned.1.call-start
scs
__scs_entry_jumppad:
0x0: {  	(pc) =	sbr.rel $0x88, $3  }
0x1: {  	(tag) =	ssettag $0x0;
	lr =	simm.s32 $0x1  }
0x2: {  	[smem:$0x3F97] =	sst lr;
	_ =	strace $0xD0000000  }
0x3: {  	_ = 	snop  }
0x4: {  	_ = 	snop  }
0x5: {  	_ = 	snop  }
0x6: {  	_ = 	snop  }
0x7: {  	_ = 	snop  }
__scs_overlays_trampoline_lowered:
0x8: {  	[smem:$0x3FA6] =	sst s0  }
0x9: {  	[smem:$0x3FA7] =	sst s1  }
0xa: {  	[smem:$0x3FA8] =	sst s2  }
0xb: {  	[smem:$0x3FA9] =	sst s3  }
0xc: {  	[smem:$0x3FAA] =	sst s4  }
0xd: {  	[smem:$0x3FAB] =	sst s5  }
0xe: {  	[smem:$0x3FAC] =	sst s6  }
0xf: {  	[smem:$0x3FAD] =	sst s7  }
0x10: {  	[smem:$0x3FAE] =	sst s8  }
0x11: {  	[smem:$0x3FAF] =	sst s9;
	s0 =	simm.s32 @!p0 $0x0  }
0x12: {  	s1 =	sld [smem:$0x3F95];
	s0 =	simm.s32 @p0 $0x1  }
0x13: {  	[smem:$0x3FB0] =	sst s0;
	s0 =	simm.s32 @!p1 $0x0  }
0x14: {  	s2 =	sld [smem:$0x3F94];
	s0 =	simm.s32 @p1 $0x1  }
0x15: {  	[smem:$0x3FB1] =	sst s0;
	s0 =	simm.s32 @!p2 $0x0  }
0x16: {  	s3 =	sld [smem:$0x3FDB];
	s0 =	simm.s32 @p2 $0x1  }
0x17: {  	s4 =	simm.s32 $0x1BF5;
	[smem:$0x3FB3] =	sst s0  }
0x18: {  	s0 =	sld [smem:$0x3F96];
	_ =	swait.ge [sflag:s4], $0x0  }
0x19: {  	s7 =	sld [smem:$0x3F97]  }
0x1a: {  	s8 =	sadd.s32 $0xFFFFE003, lr  }
0x1b: {  	s9 =	sadd.s32 $0xFFFFFEF7, lr;
	s5 =	simm.s32 $0xFFFFFFFF;
	p2 =	slt.u32 s8, $0xFFFFF086  }
0x1c: {  	p1 =	slt.u32 s9, $0xF7A;
	s5 =	simm.s32 @!p2 $0x0  }
0x1d: {  	s5 =	simm.s32 @p1 $0x1;
	p0 =	seq.s32 s7, s2  }
0x1e: {  	s7 =	smul.u32 @!p0 $0xF7A, s2;
	p2 =	seq.s32 @!p0 s5, $0x0  }
0x1f: {  	s9 =	smul.u32 $0xF7A, s1;
	s8 =	simm.s32 @!p0 $0x1BF5;
	p2 =	por !p2, p0  }
0x20: {  	[sflag:s8] =	ssyncset.s32 @!p0 $0xFFFFF086;
	s6 =	sadd.s32 @!p0 s3, s7;
	s7 =	simm.s32 @!p0 $0x108  }
0x21: {  	s3 =	sadd.s32 s3, s9;
	s6 =	sadd.s32 @!p0 $0x88, s6;
	s7 =	simm.s32 @p2 $0x1082  }
0x22: {  	[simem:s7], [sflag:s8] =	dma.local @!p0 [hbm:s6], $0xF7A  }
0x23: {  	s9 =	sor.u32 $0xD0000000, s2;
	s6 =	simm.s32 $0x108;
	_ =	swait.ge @!p0 [sflag:s8], $0x0  }
0x24: {  	s3 =	sadd.s32 $0x88, s3;
	s6 =	simm.s32 @!p1 $0x1082;
	[sflag:s4] =	ssyncset.s32 $0xFFFFF086  }
0x25: {  	[simem:s6], [sflag:s4] =	dma.local [hbm:s3], $0xF7A  }
0x26: {  	[smem:$0x3F97] =	sst s1;
	(tag) =	ssettag s2;
	_ =	strace s9  }
0x27: {  	s1 =	sld [smem:$0x3FA7]  }
0x28: {  	s2 =	sld [smem:$0x3FA8]  }
0x29: {  	s4 =	sld [smem:$0x3FAA]  }
0x2a: {  	p0 =	seq.s32 s5, $0x0;
	s5 =	sld [smem:$0x3FAB]  }
0x2b: {  	s6 =	sld [smem:$0x3FAC]  }
0x2c: {  	s7 =	sld [smem:$0x3FAD]  }
0x2d: {  	s3 =	simm.s32 $0x108;
	s8 =	sld [smem:$0x3FAE]  }
0x2e: {  	s3 =	simm.s32 @!p0 $0x1082;
	s9 =	sld [smem:$0x3FAF]  }
0x2f: {  	lr =	sadd.s32 s0, s3;
	s0 =	sld [smem:$0x3FA6]  }
0x30: {  	s3 =	sld [smem:$0x3FA9]  }
0x31: {  	[smem:$0x3FB2] =	sst s10  }
0x32: {  	s10 =	sld [smem:$0x3FB0];
	_ =	sdelay $0x3  }
0x33: {  	p0 =	seq.s32 s10, $0x1;
	s10 =	sld [smem:$0x3FB2];
	_ =	sdelay $0x3  }
0x34: {  	[smem:$0x3FB2] =	sst s10  }
0x35: {  	s10 =	sld [smem:$0x3FB1];
	_ =	sdelay $0x3  }
0x36: {  	p1 =	seq.s32 s10, $0x1;
	s10 =	sld [smem:$0x3FB2];
	_ =	sdelay $0x3  }
0x37: {  	[smem:$0x3FB2] =	sst s10  }
0x38: {  	s10 =	sld [smem:$0x3FB3]  }
0x39: {  	_ = 	snop;
	(pc) =	sbr.ind lr, $3  }
0x3a: {  	_ = 	snop  }
0x3b: {  	_ = 	snop  }
0x3c: {  	p2 =	seq.s32 s10, $0x1;
	s10 =	sld [smem:$0x3FB2]  }
0x3d: {  	_ =	shalt  }
0x3e: {  	_ =	shalt  }
0x3f: {  	_ =	shalt  }
0x40: {  	_ =	shalt  }
0x41: {  	_ =	shalt  }
0x42: {  	_ =	shalt  }
0x43: {  	_ =	shalt  }
0x44: {  	_ =	shalt  }
0x45: {  	_ =	shalt  }
0x46: {  	_ =	shalt  }
0x47: {  	_ =	shalt  }
0x48: {  	_ =	shalt  }
0x49: {  	_ =	shalt  }
0x4a: {  	_ =	shalt  }
0x4b: {  	_ =	shalt  }
0x4c: {  	_ =	shalt  }
0x4d: {  	_ =	shalt  }
0x4e: {  	_ =	shalt  }
0x4f: {  	_ =	shalt  }
0x50: {  	_ =	shalt  }
0x51: {  	_ =	shalt  }
0x52: {  	_ =	shalt  }
0x53: {  	_ =	shalt  }
0x54: {  	_ =	shalt  }
0x55: {  	_ =	shalt  }
0x56: {  	_ =	shalt  }
0x57: {  	_ =	shalt  }
0x58: {  	_ =	shalt  }
0x59: {  	_ =	shalt  }
0x5a: {  	_ =	shalt  }
0x5b: {  	_ =	shalt  }
0x5c: {  	_ =	shalt  }
0x5d: {  	_ =	shalt  }
0x5e: {  	_ =	shalt  }
0x5f: {  	_ =	shalt  }
0x60: {  	_ =	shalt  }
0x61: {  	_ =	shalt  }
0x62: {  	_ =	shalt  }
0x63: {  	_ =	shalt  }
0x64: {  	_ =	shalt  }
0x65: {  	_ =	shalt  }
0x66: {  	_ =	shalt  }
0x67: {  	_ =	shalt  }
0x68: {  	_ =	shalt  }
0x69: {  	_ =	shalt  }
0x6a: {  	_ =	shalt  }
0x6b: {  	_ =	shalt  }
0x6c: {  	_ =	shalt  }
0x6d: {  	_ =	shalt  }
0x6e: {  	_ =	shalt  }
0x6f: {  	_ =	shalt  }
0x70: {  	_ =	shalt  }
0x71: {  	_ =	shalt  }
0x72: {  	_ =	shalt  }
0x73: {  	_ =	shalt  }
0x74: {  	_ =	shalt  }
0x75: {  	_ =	shalt  }
0x76: {  	_ =	shalt  }
0x77: {  	_ =	shalt  }
0x78: {  	_ =	shalt  }
0x79: {  	_ =	shalt  }
0x7a: {  	_ =	shalt  }
0x7b: {  	_ =	shalt  }
0x7c: {  	_ =	shalt  }
0x7d: {  	_ =	shalt  }
0x7e: {  	_ =	shalt  }
0x7f: {  	_ =	shalt  }
0x80: {  	_ =	shalt  }
0x81: {  	_ =	shalt  }
0x82: {  	_ =	shalt  }
0x83: {  	_ =	shalt  }
0x84: {  	_ =	shalt  }
0x85: {  	_ =	shalt  }
0x86: {  	_ =	shalt  }
0x87: {  	_ =	shalt  }
.Lfunc_end0:
.L_simem_size_0:
called_computation.1_lowered:
.L_overlay_start_0:
0x88: {  	s2 =	sld [smem:$0x3FD9]  }
0x89: {  	s3 =	sld [smem:$0x3FFE];
	_ =	sdelay $0x1  }
0x8a: {  	s1 =	srdreg.scid  }
0x8b: {  	s0 =	sand.u32 $0x1, s1  }
0x8c: {  	s17 =	sshll.u32 s0, $0xA;
	s2 =	sadd.s32 s3, s2  }
0x8d: {  	s2 =	sadd.s32 s2, s17  }
0x8e: {  	[smem:$0x3FBE] =	sst s2  }
0x8f: {  	_ = 	snop  }
0x90: {  	s2 =	sld [smem:$0x3FD0];
	(tm) =	ssettm $0x1  }
0x91: {  	s18 =	sld [smem:$0x3FFB];
	_ =	sdelay $0x3  }
0x92: {  	_ =	strace s18  }
0x93: {  	s3 =	sld [smem:$0x3FFC];
	_ =	sdelay $0x3  }
0x94: {  	_ =	strace s3  }
0x95: {  	s3 =	sld [smem:$0x3FFD];
	_ =	sdelay $0x3  }
0x96: {  	_ =	strace s3  }
0x97: {  	_ =	strace $0x8FFFFFFF  }
0x98: {  	s19 =	sld [smem:$0x3FDB];
	_ =	sdelay $0x1  }
0x99: {  	s4 =	simm.s32 $_scs_section_size  }
0x9a: {  	s5 =	simm.s32 $_size__tile_overlayer_lowered;
	s6 =	simm.s32 $_tile_overlayer_lowered  }
0x9b: {  	s22 =	simm.s32 $0x1BFF;
	s21 =	sshll.u32 s6, $0x1;
	s3 =	sadd.s32 s4, s19  }
0x9c: {  	s7 =	simm.s32 $0x0;
	s20 =	sshll.u32 s5, $0x1;
	s5 =	sadd.s32 s21, s3  }
0x9d: {  	[timem:s7], [sflag:s22] =	dma.local [hbm:s5], s20  }
0x9e: {  	_ =	swait.ge [sflag:s22], s20  }
0x9f: {  	s4 =	ssub.s32 $0x0, s20;
	[sflag:s22] =	ssyncset.done $0x0  }
0xa0: {  	[sflag:s22] =	ssyncadd.s32 s4;
	_ =	sdelay $0x1  }
0xa1: {  	s23 =	simm.s32 $0x1B8B  }
0xa2: {  	_ =	swait.ge [sflag:s23], $0x1  }
0xa3: {  	[sflag:s23] =	ssyncset.done $0x0  }
0xa4: {  	s25 =	simm.s32 $0x1B8E;
	s24 =	sld [smem:$0x3FFE];
	[sflag:s23] =	ssyncadd.s32 $0xFFFFFFFF  }
0xa5: {  	s26 =	simm.s32 $execute0_lowered;
	[smem:$0x3FD2] =	sst s25  }
0xa6: {  	s5 =	sshll.u32 s26, $0x1;
	_ =	strace $0x8000004F;
	[dreg:$0x1] =	wrdreg $0xFFFFFFFF  }
0xa7: {  	s28 =	simm.s32 $_size_execute0_lowered;
	s3 =	sadd.s32 s3, s5;
	[dreg:$0x0] =	wrdreg $0x0  }
0xa8: {  	s5 =	sshll.u32 s28, $0x1;
	[dreg:$0x2] =	wrdreg s3  }
0xa9: {  	[dreg:$0x3] =	wrdreg s5  }
0xaa: {  	[dreg:$0x4] =	wrdreg $0xC0  }
0xab: {  	_ =	task [dreg:s7], $0x5FFFF  }
0xac: {  	[dreg:$0x1] =	wrdreg $0xFFFFFFFF  }
0xad: {  	[dreg:$0x0] =	wrdreg $0x60  }
0xae: {  	[dreg:$0x2] =	wrdreg s24  }
0xaf: {  	[dreg:$0x3] =	wrdreg s2  }
0xb0: {  	[dreg:$0x4] =	wrdreg $0x82800  }
0xb1: {  	[dreg:$0x5] =	wrdreg $0x9  }
0xb2: {  	_ =	task.clear_ibuf [dreg:s7], $0x6FFFF;
	_ =	strace $0x9000004F  }
0xb3: {  	s29 =	simm.s32 $0x9;
	_ =	strace $0x80000054  }
0xb4: {  	_ =	swait.ge [sflag:s29], $0x1  }
0xb5: {  	[sflag:s29] =	ssyncadd.s32 $0xFFFFFFFF  }
0xb6: {  	_ =	strace $0x90000054  }
0xb7: {  	_ =	sfence  }
0xb8: {  	s30 =	sld [smem:$0x0];
	_ =	sdelay $0x2  }
0xb9: {  	s31 =	sshll.u32 s1, $0xD;
	s1 =	sshrl.u32 s1, $0x2  }
0xba: {  	s3 =	sand.u32 $0x4000, s31;
	s1 =	sadd.s32 s1, s30  }
0xbb: {  	s0 =	sor.u32 s3, s0;
	s1 =	sshll.u32 s1, $0x11  }
0xbc: {  	s0 =	sor.u32 s1, s0  }
0xbd: {  	s0 =	sadd.s32 $0x8F2B, s0  }
0xbe: {  	[sflag:s0] =	ssyncadd.remote.s32 $0x1  }
0xbf: {  	_ =	sfence.sel $0xFFFF  }
0xc0: {  	[dreg:$0x0] =	wrdreg $0xFFFFFFFF;
	(pc) =	sbr.abs _section_cstart, $3  }
0xc1: {  	[dreg:$0x1] =	wrdreg $0xFFFFFFFF  }
0xc2: {  	_ =	task.clear_ibuf [dreg:s7], $0x2FFFF;
	_ =	strace $0x9FFFFFFF  }
0xc3: {  	(tm) =	ssettm $0x7FFFFFFF  }
tec
execute0_lowered:
.L_overlay_start_1:
0x0: {  	(tag) =	ssettag $0x1  }
0x1: {  	s0 =	rddreg [dreg:$0x0]  }
0x2: {  	s2 =	rddreg [dreg:$0x1]  }
0x3: {  	s1 =	rddreg [dreg:$0x2];
	s3 =	srdreg.scid  }
0x4: {  	s11 =	stileid.u32;
	s28 =	simm.s32 $0x4200;
	s29 =	simm.s32 $0x100  }
0x5: {  	s30 =	simm.s32 $0x200;
	s31 =	simm.s32 $0x180;
	s7 =	sand.u32 $0x1, s3  }
0x6: {  	s3 =	simm.s32 $0x0;
	s6 =	smul.u32 $0x2800, s11;
	s4 =	sadd.s32 $0x34600, s0  }
0x7: {  	s8 =	sadd.s32 $0x2600, s0;
	s9 =	sadd.s32 $0x5C600, s0;
	s15 =	smul.u32 $0x280, s11  }
0x8: {  	s0 =	sadd.s32 $0x5CC00, s0;
	s5 =	smul.u32 $0x28000, s7;
	[smem:$0x7FF] =	sst s3  }
0x9: {  	s10 =	ssub.s32 $0x2, s7;
	s17 =	smul.u32 $0x2800, s7;
	_ =	strace $0x80000050  }
0xa: {  	s19 =	sshrl.u32 s10, $0x1;
	s21 =	sshrl.u32 s15, $0x3;
	s18 =	sadd.s32 $0x80, s15  }
0xb: {  	s14 =	sadd.s32 s6, s5;
	s10 =	ssub.s32 s10, s19;
	s7 =	sadd.s32 s9, s21  }
0xc: {  	s23 =	sshrl.u32 s18, $0x3;
	s19 =	sadd.s32 $0x100, s15;
	s21 =	sadd.s32 $0x200, s15  }
0xd: {  	s25 =	sadd.s32 s17, s15;
	s26 =	sadd.s32 s17, s18;
	s20 =	sshrl.u32 s14, $0x3  }
0xe: {  	s10 =	smax.u32 s10, $0x1;
	s24 =	sshrl.u32 s19, $0x3;
	s13 =	sshrl.u32 s21, $0x3  }
0xf: {  	s19 =	sadd.s32 s17, s19;
	s5 =	sadd.s32 s8, s20;
	s6 =	sadd.s32 s2, s20  }
0x10: {  	s16 =	sadd.s32 $0x4F0, s20;
	[dreg:$0x4] =	wrdreg s10;
	s10 =	sadd.s32 s9, s23  }
0x11: {  	s20 =	sadd.s32 $0x180, s15;
	s11 =	sadd.s32 s9, s24;
	s13 =	sadd.s32 s9, s13  }
0x12: {  	s15 =	sshll.u32 s26, $0x4;
	s23 =	sadd.s32 s17, s21;
	s26 =	sor.u32 $0x100, s14  }
0x13: {  	s22 =	sadd.s32 s8, s16;
	s12 =	sshrl.u32 s20, $0x3;
	s16 =	sadd.s32 s2, s16  }
0x14: {  	s18 =	sadd.s32 s0, s15;
	s21 =	sadd.s32 $0x10, s6;
	[dreg:$0x5] =	wrdreg s22  }
0x15: {  	s12 =	sadd.s32 s9, s12;
	[dreg:$0x6] =	wrdreg s16;
	s9 =	sshll.u32 s25, $0x4  }
0x16: {  	[dreg:$0x8] =	wrdreg s18;
	s22 =	sadd.s32 s17, s20;
	s25 =	sshll.u32 s23, $0x4  }
0x17: {  	s20 =	sadd.s32 $0x10, s5;
	s9 =	sadd.s32 s0, s9;
	s24 =	sshll.u32 s22, $0x4  }
0x18: {  	[dreg:$0x7] =	wrdreg s9;
	s9 =	sshll.u32 s19, $0x4;
	s18 =	sadd.s32 s0, s24  }
0x19: {  	s19 =	sadd.s32 s0, s25;
	s24 =	simm.s32 $0x8200;
	s25 =	simm.s32 $0x3  }
0x1a: {  	s9 =	sadd.s32 s0, s9;
	s0 =	sshrl.u32 s26, $0x3;
	s26 =	simm.s32 $0x80  }
0x1b: {  	[dreg:$0x9] =	wrdreg s9;
	s22 =	sadd.s32 s0, s2;
	s23 =	sadd.s32 s0, s8  }
0x1c: {  	v0 =	vimm.f32 $0.0e+00;
	s0 =	simm.s32 $0x1;
	s2 =	simm.s32 $0x2;
	s8 =	simm.s32 $0x0  }
.LBB2_1:
0x1d: {  	s9 =	simm.s32 $0x0;
	s14 =	simm.s32 $0x200  }
.LBB2_2:
0x1e: {  	p0 =	sne.s32 s14, $0xFE00;
	[tilespmem:s9+$0x4270] =	vst v0  }
0x1f: {  	[tilespmem:s9+$0x4200] =	vst v0  }
0x20: {  	[tilespmem:s9+$0x4210] =	vst v0  }
.Ltmp0:
0x21: {  	[tilespmem:s9+$0x4220] =	vst v0;
	(pc) =	sbr.rel @p0 .LBB2_2-.Ltmp0, $4  }
0x22: {  	[tilespmem:s9+$0x4230] =	vst v0  }
0x23: {  	[tilespmem:s9+$0x4240] =	vst v0  }
0x24: {  	[tilespmem:s9+$0x4250] =	vst v0  }
0x25: {  	[tilespmem:s9+$0x4260] =	vst v0;
	s9 =	sshra.s32 s14, $0x2;
	s14 =	sadd.s32 $0x200, s14  }
0x26: {  	[tilespmem:s9+$0x4270] =	vst v0  }
0x27: {  	[tilespmem:s9+$0x4200] =	vst v0  }
0x28: {  	[tilespmem:s9+$0x4210] =	vst v0  }
0x29: {  	[tilespmem:s9+$0x4220] =	vst v0  }
0x2a: {  	[tilespmem:s9+$0x4230] =	vst v0  }
0x2b: {  	[tilespmem:s9+$0x4240] =	vst v0  }
0x2c: {  	[tilespmem:s9+$0x4250] =	vst v0  }
0x2d: {  	[tilespmem:s9+$0x4260] =	vst v0  }
0x2e: {  	s17 =	simm.s32 $0x0;
	_ =	strace $0x80000051  }
0x2f: {  	[tilespmem:s24], [sflag:$0x3] =	stream.linear.gather [hbm4b:s7+s17], $0x80, $0x200038;
	[tilespmem:$0x1C280] =	vst v63  }
0x30: {  	_ =	swait.ge [sflag:s25], $0x80  }
0x31: {  	[sflag:s25] =	ssyncset.done $0x0  }
0x32: {  	[sflag:s25] =	ssyncadd.s32 $0xFFFFFF80  }
0x33: {  	[spmem:s1] =	stream.indirect.scatter [tilespmem:s28], [sflag:$0x3], $0x80, s24, s26, $0x2000b8;
	[tilespmem:$0x1C280] =	vst v63  }
0x34: {  	_ =	swait.ge [sflag:s25], $0x4000  }
0x35: {  	[sflag:s25] =	ssyncset.done $0x0  }
0x36: {  	[sflag:s25] =	ssyncadd.s32 $0xFFFFC000  }
0x37: {  	[tilespmem:s24], [sflag:$0x3] =	stream.linear.gather [hbm4b:s10+s17], $0x80, $0x200038;
	[tilespmem:$0x1C280] =	vst v63  }
0x38: {  	_ =	swait.ge [sflag:s25], $0x80  }
0x39: {  	[sflag:s25] =	ssyncset.done $0x0  }
0x3a: {  	[sflag:s25] =	ssyncadd.s32 $0xFFFFFF80  }
0x3b: {  	[spmem:s1] =	stream.indirect.scatter [tilespmem:s28], [sflag:$0x3], $0x80, s24, s26, $0x2000b8;
	[tilespmem:$0x1C280] =	vst v63  }
0x3c: {  	_ =	swait.ge [sflag:s25], $0x4000  }
0x3d: {  	[sflag:s25] =	ssyncset.done $0x0  }
0x3e: {  	[sflag:s25] =	ssyncadd.s32 $0xFFFFC000  }
0x3f: {  	[tilespmem:s24], [sflag:$0x3] =	stream.linear.gather [hbm4b:s11+s17], $0x80, $0x200038;
	[tilespmem:$0x1C280] =	vst v63  }
0x40: {  	_ =	swait.ge [sflag:s25], $0x80  }
0x41: {  	[sflag:s25] =	ssyncset.done $0x0  }
0x42: {  	[sflag:s25] =	ssyncadd.s32 $0xFFFFFF80  }
0x43: {  	[spmem:s1] =	stream.indirect.scatter [tilespmem:s28], [sflag:$0x3], $0x80, s24, s26, $0x2000b8;
	[tilespmem:$0x1C280] =	vst v63  }
0x44: {  	_ =	swait.ge [sflag:s25], $0x4000  }
0x45: {  	[sflag:s25] =	ssyncset.done $0x0  }
0x46: {  	[sflag:s25] =	ssyncadd.s32 $0xFFFFC000  }
0x47: {  	[tilespmem:s24], [sflag:$0x3] =	stream.linear.gather [hbm4b:s12+s17], $0x80, $0x200038;
	[tilespmem:$0x1C280] =	vst v63  }
0x48: {  	_ =	swait.ge [sflag:s25], $0x80  }
0x49: {  	[sflag:s25] =	ssyncset.done $0x0  }
0x4a: {  	[sflag:s25] =	ssyncadd.s32 $0xFFFFFF80  }
0x4b: {  	[spmem:s1] =	stream.indirect.scatter [tilespmem:s28], [sflag:$0x3], $0x80, s24, s26, $0x2000b8;
	[tilespmem:$0x1C280] =	vst v63  }
0x4c: {  	_ =	swait.ge [sflag:s25], $0x4000  }
0x4d: {  	[sflag:s25] =	ssyncset.done $0x0  }
0x4e: {  	[sflag:s25] =	ssyncadd.s32 $0xFFFFC000  }
0x4f: {  	[tilespmem:s24], [sflag:$0x3] =	stream.linear.gather [hbm4b:s13+s17], $0x80, $0x200038;
	[tilespmem:$0x1C280] =	vst v63  }
0x50: {  	_ =	swait.ge [sflag:s25], $0x80  }
0x51: {  	[sflag:s25] =	ssyncset.done $0x0  }
0x52: {  	[sflag:s25] =	ssyncadd.s32 $0xFFFFFF80  }
0x53: {  	[spmem:s1] =	stream.indirect.scatter [tilespmem:s28], [sflag:$0x3], $0x80, s24, s26, $0x2000b8;
	[tilespmem:$0x1C280] =	vst v63  }
0x54: {  	_ =	swait.ge [sflag:s25], $0x4000  }
0x55: {  	[sflag:s25] =	ssyncset.done $0x0  }
0x56: {  	[sflag:s25] =	ssyncadd.s32 $0xFFFFC000  }
0x57: {  	_ =	strace $0x90000051  }
0x58: {  	[bflag:$0x0] =	sbarrier.arrive $0xFFFF  }
0x59: {  	_ =	strace $0x80000052  }
0x5a: {  	[tilespmem:s17], [sflag:$0x3] =	stream.linear.gather [hbm4b:s5+s17], $0x80, $0x200038;
	[tilespmem:$0x1C280] =	vst v63  }
0x5b: {  	_ =	swait.ge [sflag:s25], $0x80  }
0x5c: {  	[sflag:s25] =	ssyncset.done $0x0  }
0x5d: {  	[sflag:s25] =	ssyncadd.s32 $0xFFFFFF80  }
0x5e: {  	[tilespmem:s29], [sflag:$0x3] =	stream.linear.gather [hbm4b:s6+s17], $0x80, $0x200038;
	[tilespmem:$0x1C280] =	vst v63  }
0x5f: {  	_ =	swait.ge [sflag:s25], $0x80  }
0x60: {  	[sflag:s25] =	ssyncset.done $0x0  }
0x61: {  	[sflag:s25] =	ssyncadd.s32 $0xFFFFFF80  }
0x62: {  	[tilespmem:s30], [sflag:$0x1] =	stream.indirect.gather [hbm4b:s4+s26], $0x80, s17, s26, $0x2000b8;
	[tilespmem:$0x1C280] =	vst v63  }
0x63: {  	s14 =	sadd.s32 $0x0, s20  }
0x64: {  	[tilespmem:s26], [sflag:$0x3] =	stream.linear.gather [hbm4b:s14+s3], $0x80, $0x200038;
	[tilespmem:$0x1C280] =	vst v63  }
0x65: {  	_ =	swait.ge [sflag:s25], $0x80  }
0x66: {  	[sflag:s25] =	ssyncset.done $0x0  }
0x67: {  	s15 =	sadd.s32 $0x0, s21;
	[sflag:s25] =	ssyncadd.s32 $0xFFFFFF80  }
0x68: {  	[tilespmem:s31], [sflag:$0x3] =	stream.linear.gather [hbm4b:s15+s3], $0x80, $0x200038;
	[tilespmem:$0x1C280] =	vst v63  }
0x69: {  	_ =	swait.ge [sflag:s25], $0x80  }
0x6a: {  	[sflag:s25] =	ssyncset.done $0x0  }
0x6b: {  	[sflag:s25] =	ssyncadd.s32 $0xFFFFFF80  }
0x6c: {  	_ =	swait.ge [sflag:s0], $0x4000  }
0x6d: {  	[sflag:s0] =	ssyncset.done $0x0  }
0x6e: {  	[sflag:s0] =	ssyncadd.s32 $0xFFFFC000  }
0x6f: {  	[tilespmem:s28], [sflag:$0x2] =	stream.indirect.gather [hbm4b:s4+s26], $0x80, s26, s26, $0x2000b8;
	[tilespmem:$0x1C280] =	vst v63  }
0x70: {  	_ = 	snop  }
0x71: {  	[spmem:s1] =	stream.indirect.scatter.add.f32 [tilespmem:s30], [sflag:$0x3], $0x80, s29, s26, $0x2000b8;
	[tilespmem:$0x1C280] =	vst v63  }
0x72: {  	_ =	swait.ge [sflag:s25], $0x4000  }
0x73: {  	[sflag:s25] =	ssyncset.done $0x0  }
0x74: {  	s16 =	sadd.s32 $0x0, s23;
	[sflag:s25] =	ssyncadd.s32 $0xFFFFC000  }
0x75: {  	[tilespmem:s3], [sflag:$0x3] =	stream.linear.gather [hbm4b:s16+s3], $0x80, $0x200038;
	[tilespmem:$0x1C280] =	vst v63  }
0x76: {  	_ =	swait.ge [sflag:s25], $0x80  }
0x77: {  	[sflag:s25] =	ssyncset.done $0x0  }
0x78: {  	s17 =	sadd.s32 $0x0, s22;
	[sflag:s25] =	ssyncadd.s32 $0xFFFFFF80  }
0x79: {  	[tilespmem:s29], [sflag:$0x3] =	stream.linear.gather [hbm4b:s17+s3], $0x80, $0x200038;
	[tilespmem:$0x1C280] =	vst v63  }
0x7a: {  	_ =	swait.ge [sflag:s25], $0x80  }
0x7b: {  	[sflag:s25] =	ssyncset.done $0x0  }
0x7c: {  	[sflag:s25] =	ssyncadd.s32 $0xFFFFFF80  }
0x7d: {  	[tilespmem:s30], [sflag:$0x1] =	stream.indirect.gather [hbm4b:s4+s26], $0x80, s3, s26, $0x2000b8;
	[tilespmem:$0x1C280] =	vst v63  }
0x7e: {  	_ =	swait.ge [sflag:s2], $0x4000  }
0x7f: {  	[sflag:s2] =	ssyncset.done $0x0  }
0x80: {  	[sflag:s2] =	ssyncadd.s32 $0xFFFFC000  }
0x81: {  	[spmem:s1] =	stream.indirect.scatter.add.f32 [tilespmem:s28], [sflag:$0x3], $0x80, s31, s26, $0x2000b8;
	[tilespmem:$0x1C280] =	vst v63  }
0x82: {  	_ =	swait.ge [sflag:s25], $0x4000  }
0x83: {  	s9 =	simm.s32 $0x20;
	s14 =	simm.s32 $0x40;
	[sflag:s25] =	ssyncset.done $0x0  }
.LBB2_4:
0x84: {  	s16 =	sadd.s32 s9, s20  }
0x85: {  	[sflag:s25] =	ssyncadd.s32 $0xFFFFC000;
	s17 =	smov.u32 s14;
	s15 =	sadd.s32 $0x20, s14  }
0x86: {  	[tilespmem:s26], [sflag:$0x3] =	stream.linear.gather [hbm4b:s16+s3], $0x80, $0x200038;
	[tilespmem:$0x1C280] =	vst v63  }
0x87: {  	p0 =	sne.s32 s14, $0x4C0;
	_ =	swait.ge [sflag:s25], $0x80  }
0x88: {  	[sflag:s25] =	ssyncset.done $0x0  }
0x89: {  	s14 =	sadd.s32 s9, s21;
	[sflag:s25] =	ssyncadd.s32 $0xFFFFFF80  }
0x8a: {  	[tilespmem:s31], [sflag:$0x3] =	stream.linear.gather [hbm4b:s14+s3], $0x80, $0x200038;
	[tilespmem:$0x1C280] =	vst v63  }
0x8b: {  	_ =	swait.ge [sflag:s25], $0x80  }
0x8c: {  	[sflag:s25] =	ssyncset.done $0x0  }
0x8d: {  	[sflag:s25] =	ssyncadd.s32 $0xFFFFFF80  }
0x8e: {  	_ =	swait.ge [sflag:s0], $0x4000  }
0x8f: {  	[sflag:s0] =	ssyncset.done $0x0  }
0x90: {  	[sflag:s0] =	ssyncadd.s32 $0xFFFFC000  }
0x91: {  	[tilespmem:s28], [sflag:$0x2] =	stream.indirect.gather [hbm4b:s4+s26], $0x80, s26, s26, $0x2000b8;
	[tilespmem:$0x1C280] =	vst v63  }
0x92: {  	_ = 	snop  }
0x93: {  	[spmem:s1] =	stream.indirect.scatter.add.f32 [tilespmem:s30], [sflag:$0x3], $0x80, s29, s26, $0x2000b8;
	[tilespmem:$0x1C280] =	vst v63  }
0x94: {  	_ =	swait.ge [sflag:s25], $0x4000  }
0x95: {  	[sflag:s25] =	ssyncset.done $0x0  }
0x96: {  	s14 =	sadd.s32 s9, s23;
	[sflag:s25] =	ssyncadd.s32 $0xFFFFC000  }
0x97: {  	[tilespmem:s3], [sflag:$0x3] =	stream.linear.gather [hbm4b:s14+s3], $0x80, $0x200038;
	[tilespmem:$0x1C280] =	vst v63  }
0x98: {  	_ =	swait.ge [sflag:s25], $0x80  }
0x99: {  	[sflag:s25] =	ssyncset.done $0x0  }
0x9a: {  	s14 =	sadd.s32 s9, s22;
	s9 =	smov.u32 s17;
	[sflag:s25] =	ssyncadd.s32 $0xFFFFFF80  }
0x9b: {  	[tilespmem:s29], [sflag:$0x3] =	stream.linear.gather [hbm4b:s14+s3], $0x80, $0x200038;
	[tilespmem:$0x1C280] =	vst v63  }
0x9c: {  	_ =	swait.ge [sflag:s25], $0x80  }
0x9d: {  	[sflag:s25] =	ssyncset.done $0x0  }
0x9e: {  	[sflag:s25] =	ssyncadd.s32 $0xFFFFFF80  }
0x9f: {  	[tilespmem:s30], [sflag:$0x1] =	stream.indirect.gather [hbm4b:s4+s26], $0x80, s3, s26, $0x2000b8;
	[tilespmem:$0x1C280] =	vst v63  }
0xa0: {  	_ =	swait.ge [sflag:s2], $0x4000  }
.Ltmp1:
0xa1: {  	[sflag:s2] =	ssyncset.done $0x0;
	(pc) =	sbr.rel @p0 .LBB2_4-.Ltmp1, $4  }
0xa2: {  	[sflag:s2] =	ssyncadd.s32 $0xFFFFC000  }
0xa3: {  	[spmem:s1] =	stream.indirect.scatter.add.f32 [tilespmem:s28], [sflag:$0x3], $0x80, s31, s26, $0x2000b8;
	[tilespmem:$0x1C280] =	vst v63  }
0xa4: {  	_ =	swait.ge [sflag:s25], $0x4000  }
0xa5: {  	s14 =	smov.u32 s15;
	[sflag:s25] =	ssyncset.done $0x0  }
0xa6: {  	s14 =	sadd.s32 s9, s20;
	[sflag:s25] =	ssyncadd.s32 $0xFFFFC000  }
0xa7: {  	[tilespmem:s26], [sflag:$0x3] =	stream.linear.gather [hbm4b:s14+s3], $0x80, $0x200038;
	[tilespmem:$0x1C280] =	vst v63  }
0xa8: {  	_ =	swait.ge [sflag:s25], $0x80  }
0xa9: {  	[sflag:s25] =	ssyncset.done $0x0  }
0xaa: {  	s16 =	sadd.s32 s9, s21;
	[sflag:s25] =	ssyncadd.s32 $0xFFFFFF80  }
0xab: {  	[tilespmem:s31], [sflag:$0x3] =	stream.linear.gather [hbm4b:s16+s3], $0x80, $0x200038;
	[tilespmem:$0x1C280] =	vst v63  }
0xac: {  	_ =	swait.ge [sflag:s25], $0x80  }
0xad: {  	[sflag:s25] =	ssyncset.done $0x0  }
0xae: {  	[sflag:s25] =	ssyncadd.s32 $0xFFFFFF80  }
0xaf: {  	_ =	swait.ge [sflag:s0], $0x4000  }
0xb0: {  	[sflag:s0] =	ssyncset.done $0x0  }
0xb1: {  	[sflag:s0] =	ssyncadd.s32 $0xFFFFC000  }
0xb2: {  	[tilespmem:s28], [sflag:$0x2] =	stream.indirect.gather [hbm4b:s4+s26], $0x80, s26, s26, $0x2000b8;
	[tilespmem:$0x1C280] =	vst v63  }
0xb3: {  	_ = 	snop  }
0xb4: {  	[spmem:s1] =	stream.indirect.scatter.add.f32 [tilespmem:s30], [sflag:$0x3], $0x80, s29, s26, $0x2000b8;
	[tilespmem:$0x1C280] =	vst v63  }
0xb5: {  	_ =	swait.ge [sflag:s25], $0x4000  }
0xb6: {  	[sflag:s25] =	ssyncset.done $0x0  }
0xb7: {  	s17 =	sadd.s32 s9, s23;
	[sflag:s25] =	ssyncadd.s32 $0xFFFFC000  }
0xb8: {  	[tilespmem:s3], [sflag:$0x3] =	stream.linear.gather [hbm4b:s17+s3], $0x80, $0x200038;
	[tilespmem:$0x1C280] =	vst v63  }
0xb9: {  	_ =	swait.ge [sflag:s25], $0x80  }
0xba: {  	[sflag:s25] =	ssyncset.done $0x0  }
0xbb: {  	s15 =	sadd.s32 s9, s22;
	[sflag:s25] =	ssyncadd.s32 $0xFFFFFF80  }
0xbc: {  	[tilespmem:s29], [sflag:$0x3] =	stream.linear.gather [hbm4b:s15+s3], $0x80, $0x200038;
	[tilespmem:$0x1C280] =	vst v63  }
0xbd: {  	_ =	swait.ge [sflag:s25], $0x80  }
0xbe: {  	[sflag:s25] =	ssyncset.done $0x0  }
0xbf: {  	[sflag:s25] =	ssyncadd.s32 $0xFFFFFF80  }
0xc0: {  	[tilespmem:s30], [sflag:$0x1] =	stream.indirect.gather [hbm4b:s4+s26], $0x80, s3, s26, $0x2000b8;
	[tilespmem:$0x1C280] =	vst v63  }
0xc1: {  	_ =	swait.ge [sflag:s2], $0x4000  }
0xc2: {  	[sflag:s2] =	ssyncset.done $0x0  }
0xc3: {  	[sflag:s2] =	ssyncadd.s32 $0xFFFFC000  }
0xc4: {  	[spmem:s1] =	stream.indirect.scatter.add.f32 [tilespmem:s28], [sflag:$0x3], $0x80, s31, s26, $0x2000b8;
	[tilespmem:$0x1C280] =	vst v63  }
0xc5: {  	_ =	swait.ge [sflag:s25], $0x4000  }
0xc6: {  	[sflag:s25] =	ssyncset.done $0x0  }
0xc7: {  	s16 =	rddreg [dreg:$0x5];
	[sflag:s25] =	ssyncadd.s32 $0xFFFFC000  }
0xc8: {  	[tilespmem:s26], [sflag:$0x3] =	stream.linear.gather [hbm4b:s16+s3], $0x80, $0x200038;
	[tilespmem:$0x1C280] =	vst v63  }
0xc9: {  	_ =	swait.ge [sflag:s25], $0x80  }
0xca: {  	[sflag:s25] =	ssyncset.done $0x0  }
0xcb: {  	s17 =	rddreg [dreg:$0x6];
	[sflag:s25] =	ssyncadd.s32 $0xFFFFFF80  }
0xcc: {  	[tilespmem:s31], [sflag:$0x3] =	stream.linear.gather [hbm4b:s17+s3], $0x80, $0x200038;
	[tilespmem:$0x1C280] =	vst v63  }
0xcd: {  	_ =	swait.ge [sflag:s25], $0x80  }
0xce: {  	[sflag:s25] =	ssyncset.done $0x0  }
0xcf: {  	[sflag:s25] =	ssyncadd.s32 $0xFFFFFF80  }
0xd0: {  	_ =	swait.ge [sflag:s0], $0x4000  }
0xd1: {  	[sflag:s0] =	ssyncset.done $0x0  }
0xd2: {  	[sflag:s0] =	ssyncadd.s32 $0xFFFFC000  }
0xd3: {  	[tilespmem:s28], [sflag:$0x2] =	stream.indirect.gather [hbm4b:s4+s26], $0x80, s26, s26, $0x2000b8;
	[tilespmem:$0x1C280] =	vst v63  }
0xd4: {  	_ = 	snop  }
0xd5: {  	[spmem:s1] =	stream.indirect.scatter.add.f32 [tilespmem:s30], [sflag:$0x3], $0x80, s29, s26, $0x2000b8;
	[tilespmem:$0x1C280] =	vst v63  }
0xd6: {  	_ =	swait.ge [sflag:s25], $0x4000  }
0xd7: {  	[sflag:s25] =	ssyncset.done $0x0  }
0xd8: {  	[sflag:s25] =	ssyncadd.s32 $0xFFFFC000  }
0xd9: {  	[tilespmem:s3], [sflag:$0x3] =	stream.linear.gather [hbm4b:s5+s3], $0x80, $0x200038;
	[tilespmem:$0x1C280] =	vst v63  }
0xda: {  	_ =	swait.ge [sflag:s25], $0x80  }
0xdb: {  	[sflag:s25] =	ssyncset.done $0x0  }
0xdc: {  	[sflag:s25] =	ssyncadd.s32 $0xFFFFFF80  }
0xdd: {  	[tilespmem:s29], [sflag:$0x3] =	stream.linear.gather [hbm4b:s6+s3], $0x80, $0x200038;
	[tilespmem:$0x1C280] =	vst v63  }
0xde: {  	_ =	swait.ge [sflag:s25], $0x80  }
0xdf: {  	[sflag:s25] =	ssyncset.done $0x0  }
0xe0: {  	[sflag:s25] =	ssyncadd.s32 $0xFFFFFF80  }
0xe1: {  	[tilespmem:s30], [sflag:$0x1] =	stream.indirect.gather [hbm4b:s4+s26], $0x80, s3, s26, $0x2000b8;
	[tilespmem:$0x1C280] =	vst v63  }
0xe2: {  	_ =	swait.ge [sflag:s2], $0x4000  }
0xe3: {  	[sflag:s2] =	ssyncset.done $0x0  }
0xe4: {  	[sflag:s2] =	ssyncadd.s32 $0xFFFFC000  }
0xe5: {  	[spmem:s1] =	stream.indirect.scatter.add.f32 [tilespmem:s28], [sflag:$0x3], $0x80, s31, s26, $0x2000b8;
	[tilespmem:$0x1C280] =	vst v63  }
0xe6: {  	_ =	swait.ge [sflag:s25], $0x4000  }
0xe7: {  	[sflag:s25] =	ssyncset.done $0x0  }
0xe8: {  	[sflag:s25] =	ssyncadd.s32 $0xFFFFC000  }
0xe9: {  	_ =	swait.ge [sflag:s0], $0x4000  }
0xea: {  	[sflag:s0] =	ssyncset.done $0x0  }
0xeb: {  	[sflag:s0] =	ssyncadd.s32 $0xFFFFC000  }
0xec: {  	_ =	strace $0x90000052  }
0xed: {  	[bflag:$0x0] =	sbarrier.arrive $0xFFFF  }
0xee: {  	_ =	strace $0x80000053  }
0xef: {  	[tilespmem:s24], [sflag:$0x3] =	stream.linear.gather [hbm4b:s7+s3], $0x80, $0x200038;
	[tilespmem:$0x1C280] =	vst v63  }
0xf0: {  	_ =	swait.ge [sflag:s25], $0x80  }
0xf1: {  	[sflag:s25] =	ssyncset.done $0x0  }
0xf2: {  	[sflag:s25] =	ssyncadd.s32 $0xFFFFFF80  }
0xf3: {  	[tilespmem:s30], [sflag:$0x3] =	stream.indirect.gather [spmem:s1], $0x80, s24, s26, $0x2000b8;
	[tilespmem:$0x1C280] =	vst v63  }
0xf4: {  	_ =	swait.ge [sflag:s25], $0x4000  }
0xf5: {  	[sflag:s25] =	ssyncset.done $0x0  }
0xf6: {  	s14 =	rddreg [dreg:$0x7];
	[sflag:s25] =	ssyncadd.s32 $0xFFFFC000  }
0xf7: {  	[hbm4b:s14+s3] =	stream.linear.scatter [tilespmem:s30], [sflag:$0x3], $0x4000, $0x200038;
	[tilespmem:$0x1C280] =	vst v63  }
0xf8: {  	_ =	swait.ge [sflag:s25], $0x4000  }
0xf9: {  	[sflag:s25] =	ssyncset.done $0x0  }
0xfa: {  	[sflag:s25] =	ssyncadd.s32 $0xFFFFC000  }
0xfb: {  	[tilespmem:s24], [sflag:$0x3] =	stream.linear.gather [hbm4b:s10+s3], $0x80, $0x200038;
	[tilespmem:$0x1C280] =	vst v63  }
0xfc: {  	_ =	swait.ge [sflag:s25], $0x80  }
0xfd: {  	[sflag:s25] =	ssyncset.done $0x0  }
0xfe: {  	[sflag:s25] =	ssyncadd.s32 $0xFFFFFF80  }
0xff: {  	[tilespmem:s30], [sflag:$0x3] =	stream.indirect.gather [spmem:s1], $0x80, s24, s26, $0x2000b8;
	[tilespmem:$0x1C280] =	vst v63  }
0x100: {  	_ =	swait.ge [sflag:s25], $0x4000  }
0x101: {  	[sflag:s25] =	ssyncset.done $0x0  }
0x102: {  	s15 =	rddreg [dreg:$0x8];
	[sflag:s25] =	ssyncadd.s32 $0xFFFFC000  }
0x103: {  	[hbm4b:s15+s3] =	stream.linear.scatter [tilespmem:s30], [sflag:$0x3], $0x4000, $0x200038;
	[tilespmem:$0x1C280] =	vst v63  }
0x104: {  	_ =	swait.ge [sflag:s25], $0x4000  }
0x105: {  	[sflag:s25] =	ssyncset.done $0x0  }
0x106: {  	[sflag:s25] =	ssyncadd.s32 $0xFFFFC000  }
0x107: {  	[tilespmem:s24], [sflag:$0x3] =	stream.linear.gather [hbm4b:s11+s3], $0x80, $0x200038;
	[tilespmem:$0x1C280] =	vst v63  }
0x108: {  	_ =	swait.ge [sflag:s25], $0x80  }
0x109: {  	[sflag:s25] =	ssyncset.done $0x0  }
0x10a: {  	[sflag:s25] =	ssyncadd.s32 $0xFFFFFF80  }
0x10b: {  	[tilespmem:s30], [sflag:$0x3] =	stream.indirect.gather [spmem:s1], $0x80, s24, s26, $0x2000b8;
	[tilespmem:$0x1C280] =	vst v63  }
0x10c: {  	_ =	swait.ge [sflag:s25], $0x4000  }
0x10d: {  	[sflag:s25] =	ssyncset.done $0x0  }
0x10e: {  	s16 =	rddreg [dreg:$0x9];
	[sflag:s25] =	ssyncadd.s32 $0xFFFFC000  }
0x10f: {  	[hbm4b:s16+s3] =	stream.linear.scatter [tilespmem:s30], [sflag:$0x3], $0x4000, $0x200038;
	[tilespmem:$0x1C280] =	vst v63  }
0x110: {  	_ =	swait.ge [sflag:s25], $0x4000  }
0x111: {  	[sflag:s25] =	ssyncset.done $0x0  }
0x112: {  	[sflag:s25] =	ssyncadd.s32 $0xFFFFC000  }
0x113: {  	[tilespmem:s24], [sflag:$0x3] =	stream.linear.gather [hbm4b:s12+s3], $0x80, $0x200038;
	[tilespmem:$0x1C280] =	vst v63  }
0x114: {  	_ =	swait.ge [sflag:s25], $0x80  }
0x115: {  	[sflag:s25] =	ssyncset.done $0x0  }
0x116: {  	[sflag:s25] =	ssyncadd.s32 $0xFFFFFF80  }
0x117: {  	[tilespmem:s30], [sflag:$0x3] =	stream.indirect.gather [spmem:s1], $0x80, s24, s26, $0x2000b8;
	[tilespmem:$0x1C280] =	vst v63  }
0x118: {  	_ =	swait.ge [sflag:s25], $0x4000  }
0x119: {  	[sflag:s25] =	ssyncset.done $0x0  }
0x11a: {  	[sflag:s25] =	ssyncadd.s32 $0xFFFFC000  }
0x11b: {  	[hbm4b:s18+s3] =	stream.linear.scatter [tilespmem:s30], [sflag:$0x3], $0x4000, $0x200038;
	[tilespmem:$0x1C280] =	vst v63  }
0x11c: {  	_ =	swait.ge [sflag:s25], $0x4000  }
0x11d: {  	[sflag:s25] =	ssyncset.done $0x0  }
0x11e: {  	[sflag:s25] =	ssyncadd.s32 $0xFFFFC000  }
0x11f: {  	[tilespmem:s24], [sflag:$0x3] =	stream.linear.gather [hbm4b:s13+s3], $0x80, $0x200038;
	[tilespmem:$0x1C280] =	vst v63  }
0x120: {  	_ =	swait.ge [sflag:s25], $0x80  }
0x121: {  	[sflag:s25] =	ssyncset.done $0x0  }
0x122: {  	[sflag:s25] =	ssyncadd.s32 $0xFFFFFF80  }
0x123: {  	[tilespmem:s30], [sflag:$0x3] =	stream.indirect.gather [spmem:s1], $0x80, s24, s26, $0x2000b8;
	[tilespmem:$0x1C280] =	vst v63  }
0x124: {  	_ =	swait.ge [sflag:s25], $0x4000  }
0x125: {  	[sflag:s25] =	ssyncset.done $0x0  }
0x126: {  	[sflag:s25] =	ssyncadd.s32 $0xFFFFC000  }
0x127: {  	[hbm4b:s19+s3] =	stream.linear.scatter [tilespmem:s30], [sflag:$0x3], $0x4000, $0x200038;
	[tilespmem:$0x1C280] =	vst v63  }
0x128: {  	_ =	swait.ge [sflag:s25], $0x4000  }
0x129: {  	s8 =	sadd.s32 $0x1, s8;
	s17 =	rddreg [dreg:$0x4]  }
0x12a: {  	p0 =	sne.s32 s8, s17  }
.Ltmp2:
0x12b: {  	_ = 	snop;
	(pc) =	sbr.rel @p0 .LBB2_1-.Ltmp2, $4  }
0x12c: {  	_ = 	snop  }
0x12d: {  	[sflag:s25] =	ssyncset.done $0x0  }
0x12e: {  	[sflag:s25] =	ssyncadd.s32 $0xFFFFC000  }
0x12f: {  	_ =	strace $0x90000053  }
0x130: {  	_ =	sfence.sel $0x180000  }
0x131: {  	[bflag:$0x0] =	sbarrier.arrive $0xFFFF  }
0x132: {  	_ =	strace $0x90000050  }
0x133: {  	s0 =	stileid.u32;
	[bflag:$0x2] =	sbarrier.arrive $0xFFFF  }
0x134: {  	p0 =	sne.s32 s0, $0x0;
	s0 =	rddreg [dreg:$0x3]  }
0x135: {  	s0 =	sadd.s32 @!p0 $0x100000, s0  }
0x136: {  	[sflag:s0] =	ssyncadd.tile.s32 @!p0 $0x1;
	_ =	shalt  }
.Lfunc_end2:
_tile_overlayer_lowered:
.L_overlay_start_2:
0x137: {  	(tag) =	ssettag $0x2  }
0x138: {  	s0 =	rddreg [dreg:$0x0];
	s2 =	stileid.u32  }
0x139: {  	s1 =	rddreg [dreg:$0x1];
	p0 =	sne.s32 s2, $0x0  }
0x13a: {  	s3 =	rddreg [dreg:$0x2];
	[bflag:$0x3] =	sbarrier.arrive $0xFFFF;
	s2 =	simm.s32 @!p0 $0x1C03  }
0x13b: {  	[timem:s3], [sflag:s2] =	dma.local @!p0 [hbm:s0], s1  }
0x13c: {  	s0 =	simm.s32 @!p0 $0x3  }
0x13d: {  	_ =	swait.ge @!p0 [sflag:s0], s1  }
0x13e: {  	s1 =	ssub.s32 @!p0 $0x0, s1;
	[sflag:s0] =	ssyncset.done @!p0 $0x0  }
0x13f: {  	[sflag:s0] =	ssyncadd.s32 @!p0 s1  }
0x140: {  	[bflag:$0x3] =	sbarrier.arrive $0xFFFF  }
0x141: {  	_ =	shalt  }

// kernel: kernel.7.cloned.1.call-start
scs
__scs_entry_jumppad:
0x0: {  	(pc) =	sbr.rel $0x88, $3  }
0x1: {  	(tag) =	ssettag $0x0;
	lr =	simm.s32 $0x1  }
0x2: {  	[smem:$0x3F97] =	sst lr;
	_ =	strace $0xD0000000  }
0x3: {  	_ = 	snop  }
0x4: {  	_ = 	snop  }
0x5: {  	_ = 	snop  }
0x6: {  	_ = 	snop  }
0x7: {  	_ = 	snop  }
__scs_overlays_trampoline_lowered:
0x8: {  	[smem:$0x3FA6] =	sst s0  }
0x9: {  	[smem:$0x3FA7] =	sst s1  }
0xa: {  	[smem:$0x3FA8] =	sst s2  }
0xb: {  	[smem:$0x3FA9] =	sst s3  }
0xc: {  	[smem:$0x3FAA] =	sst s4  }
0xd: {  	[smem:$0x3FAB] =	sst s5  }
0xe: {  	[smem:$0x3FAC] =	sst s6  }
0xf: {  	[smem:$0x3FAD] =	sst s7  }
0x10: {  	[smem:$0x3FAE] =	sst s8  }
0x11: {  	[smem:$0x3FAF] =	sst s9;
	s0 =	simm.s32 @!p0 $0x0  }
0x12: {  	s1 =	sld [smem:$0x3F95];
	s0 =	simm.s32 @p0 $0x1  }
0x13: {  	[smem:$0x3FB0] =	sst s0;
	s0 =	simm.s32 @!p1 $0x0  }
0x14: {  	s2 =	sld [smem:$0x3F94];
	s0 =	simm.s32 @p1 $0x1  }
0x15: {  	[smem:$0x3FB1] =	sst s0;
	s0 =	simm.s32 @!p2 $0x0  }
0x16: {  	s3 =	sld [smem:$0x3FDB];
	s0 =	simm.s32 @p2 $0x1  }
0x17: {  	s4 =	simm.s32 $0x1BF5;
	[smem:$0x3FB3] =	sst s0  }
0x18: {  	s0 =	sld [smem:$0x3F96];
	_ =	swait.ge [sflag:s4], $0x0  }
0x19: {  	s7 =	sld [smem:$0x3F97]  }
0x1a: {  	s8 =	sadd.s32 $0xFFFFE003, lr  }
0x1b: {  	s9 =	sadd.s32 $0xFFFFFEF7, lr;
	s5 =	simm.s32 $0xFFFFFFFF;
	p2 =	slt.u32 s8, $0xFFFFF086  }
0x1c: {  	p1 =	slt.u32 s9, $0xF7A;
	s5 =	simm.s32 @!p2 $0x0  }
0x1d: {  	s5 =	simm.s32 @p1 $0x1;
	p0 =	seq.s32 s7, s2  }
0x1e: {  	s7 =	smul.u32 @!p0 $0xF7A, s2;
	p2 =	seq.s32 @!p0 s5, $0x0  }
0x1f: {  	s9 =	smul.u32 $0xF7A, s1;
	s8 =	simm.s32 @!p0 $0x1BF5;
	p2 =	por !p2, p0  }
0x20: {  	[sflag:s8] =	ssyncset.s32 @!p0 $0xFFFFF086;
	s6 =	sadd.s32 @!p0 s3, s7;
	s7 =	simm.s32 @!p0 $0x108  }
0x21: {  	s3 =	sadd.s32 s3, s9;
	s6 =	sadd.s32 @!p0 $0x88, s6;
	s7 =	simm.s32 @p2 $0x1082  }
0x22: {  	[simem:s7], [sflag:s8] =	dma.local @!p0 [hbm:s6], $0xF7A  }
0x23: {  	s9 =	sor.u32 $0xD0000000, s2;
	s6 =	simm.s32 $0x108;
	_ =	swait.ge @!p0 [sflag:s8], $0x0  }
0x24: {  	s3 =	sadd.s32 $0x88, s3;
	s6 =	simm.s32 @!p1 $0x1082;
	[sflag:s4] =	ssyncset.s32 $0xFFFFF086  }
0x25: {  	[simem:s6], [sflag:s4] =	dma.local [hbm:s3], $0xF7A  }
0x26: {  	[smem:$0x3F97] =	sst s1;
	(tag) =	ssettag s2;
	_ =	strace s9  }
0x27: {  	s1 =	sld [smem:$0x3FA7]  }
0x28: {  	s2 =	sld [smem:$0x3FA8]  }
0x29: {  	s4 =	sld [smem:$0x3FAA]  }
0x2a: {  	p0 =	seq.s32 s5, $0x0;
	s5 =	sld [smem:$0x3FAB]  }
0x2b: {  	s6 =	sld [smem:$0x3FAC]  }
0x2c: {  	s7 =	sld [smem:$0x3FAD]  }
0x2d: {  	s3 =	simm.s32 $0x108;
	s8 =	sld [smem:$0x3FAE]  }
0x2e: {  	s3 =	simm.s32 @!p0 $0x1082;
	s9 =	sld [smem:$0x3FAF]  }
0x2f: {  	lr =	sadd.s32 s0, s3;
	s0 =	sld [smem:$0x3FA6]  }
0x30: {  	s3 =	sld [smem:$0x3FA9]  }
0x31: {  	[smem:$0x3FB2] =	sst s10  }
0x32: {  	s10 =	sld [smem:$0x3FB0];
	_ =	sdelay $0x3  }
0x33: {  	p0 =	seq.s32 s10, $0x1;
	s10 =	sld [smem:$0x3FB2];
	_ =	sdelay $0x3  }
0x34: {  	[smem:$0x3FB2] =	sst s10  }
0x35: {  	s10 =	sld [smem:$0x3FB1];
	_ =	sdelay $0x3  }
0x36: {  	p1 =	seq.s32 s10, $0x1;
	s10 =	sld [smem:$0x3FB2];
	_ =	sdelay $0x3  }
0x37: {  	[smem:$0x3FB2] =	sst s10  }
0x38: {  	s10 =	sld [smem:$0x3FB3]  }
0x39: {  	_ = 	snop;
	(pc) =	sbr.ind lr, $3  }
0x3a: {  	_ = 	snop  }
0x3b: {  	_ = 	snop  }
0x3c: {  	p2 =	seq.s32 s10, $0x1;
	s10 =	sld [smem:$0x3FB2]  }
0x3d: {  	_ =	shalt  }
0x3e: {  	_ =	shalt  }
0x3f: {  	_ =	shalt  }
0x40: {  	_ =	shalt  }
0x41: {  	_ =	shalt  }
0x42: {  	_ =	shalt  }
0x43: {  	_ =	shalt  }
0x44: {  	_ =	shalt  }
0x45: {  	_ =	shalt  }
0x46: {  	_ =	shalt  }
0x47: {  	_ =	shalt  }
0x48: {  	_ =	shalt  }
0x49: {  	_ =	shalt  }
0x4a: {  	_ =	shalt  }
0x4b: {  	_ =	shalt  }
0x4c: {  	_ =	shalt  }
0x4d: {  	_ =	shalt  }
0x4e: {  	_ =	shalt  }
0x4f: {  	_ =	shalt  }
0x50: {  	_ =	shalt  }
0x51: {  	_ =	shalt  }
0x52: {  	_ =	shalt  }
0x53: {  	_ =	shalt  }
0x54: {  	_ =	shalt  }
0x55: {  	_ =	shalt  }
0x56: {  	_ =	shalt  }
0x57: {  	_ =	shalt  }
0x58: {  	_ =	shalt  }
0x59: {  	_ =	shalt  }
0x5a: {  	_ =	shalt  }
0x5b: {  	_ =	shalt  }
0x5c: {  	_ =	shalt  }
0x5d: {  	_ =	shalt  }
0x5e: {  	_ =	shalt  }
0x5f: {  	_ =	shalt  }
0x60: {  	_ =	shalt  }
0x61: {  	_ =	shalt  }
0x62: {  	_ =	shalt  }
0x63: {  	_ =	shalt  }
0x64: {  	_ =	shalt  }
0x65: {  	_ =	shalt  }
0x66: {  	_ =	shalt  }
0x67: {  	_ =	shalt  }
0x68: {  	_ =	shalt  }
0x69: {  	_ =	shalt  }
0x6a: {  	_ =	shalt  }
0x6b: {  	_ =	shalt  }
0x6c: {  	_ =	shalt  }
0x6d: {  	_ =	shalt  }
0x6e: {  	_ =	shalt  }
0x6f: {  	_ =	shalt  }
0x70: {  	_ =	shalt  }
0x71: {  	_ =	shalt  }
0x72: {  	_ =	shalt  }
0x73: {  	_ =	shalt  }
0x74: {  	_ =	shalt  }
0x75: {  	_ =	shalt  }
0x76: {  	_ =	shalt  }
0x77: {  	_ =	shalt  }
0x78: {  	_ =	shalt  }
0x79: {  	_ =	shalt  }
0x7a: {  	_ =	shalt  }
0x7b: {  	_ =	shalt  }
0x7c: {  	_ =	shalt  }
0x7d: {  	_ =	shalt  }
0x7e: {  	_ =	shalt  }
0x7f: {  	_ =	shalt  }
0x80: {  	_ =	shalt  }
0x81: {  	_ =	shalt  }
0x82: {  	_ =	shalt  }
0x83: {  	_ =	shalt  }
0x84: {  	_ =	shalt  }
0x85: {  	_ =	shalt  }
0x86: {  	_ =	shalt  }
0x87: {  	_ =	shalt  }
.Lfunc_end0:
.L_simem_size_0:
called_computation_lowered:
.L_overlay_start_0:
0x88: {  	s2 =	sld [smem:$0x3FD9]  }
0x89: {  	s3 =	sld [smem:$0x3FFE];
	_ =	sdelay $0x1  }
0x8a: {  	s1 =	srdreg.scid  }
0x8b: {  	s0 =	sand.u32 $0x1, s1  }
0x8c: {  	s17 =	sshll.u32 s0, $0xA;
	s2 =	sadd.s32 s3, s2  }
0x8d: {  	s2 =	sadd.s32 s2, s17  }
0x8e: {  	[smem:$0x3FBE] =	sst s2  }
0x8f: {  	_ = 	snop  }
0x90: {  	s2 =	sld [smem:$0x3FD0];
	(tm) =	ssettm $0x1  }
0x91: {  	s18 =	sld [smem:$0x3FFB];
	_ =	sdelay $0x3  }
0x92: {  	_ =	strace s18  }
0x93: {  	s3 =	sld [smem:$0x3FFC];
	_ =	sdelay $0x3  }
0x94: {  	_ =	strace s3  }
0x95: {  	s3 =	sld [smem:$0x3FFD];
	_ =	sdelay $0x3  }
0x96: {  	_ =	strace s3  }
0x97: {  	_ =	strace $0x8FFFFFFF  }
0x98: {  	s19 =	sld [smem:$0x3FDB];
	_ =	sdelay $0x1  }
0x99: {  	s4 =	simm.s32 $_scs_section_size  }
0x9a: {  	s5 =	simm.s32 $_size__tile_overlayer_lowered;
	s6 =	simm.s32 $_tile_overlayer_lowered  }
0x9b: {  	s22 =	simm.s32 $0x1BFF;
	s21 =	sshll.u32 s6, $0x1;
	s3 =	sadd.s32 s4, s19  }
0x9c: {  	s7 =	simm.s32 $0x0;
	s20 =	sshll.u32 s5, $0x1;
	s5 =	sadd.s32 s21, s3  }
0x9d: {  	[timem:s7], [sflag:s22] =	dma.local [hbm:s5], s20  }
0x9e: {  	_ =	swait.ge [sflag:s22], s20  }
0x9f: {  	s4 =	ssub.s32 $0x0, s20;
	[sflag:s22] =	ssyncset.done $0x0  }
0xa0: {  	[sflag:s22] =	ssyncadd.s32 s4;
	_ =	sdelay $0x1  }
0xa1: {  	s23 =	simm.s32 $0x1B8B  }
0xa2: {  	_ =	swait.ge [sflag:s23], $0x1  }
0xa3: {  	[sflag:s23] =	ssyncset.done $0x0  }
0xa4: {  	s25 =	simm.s32 $0x1B8E;
	s24 =	sld [smem:$0x3FFE];
	[sflag:s23] =	ssyncadd.s32 $0xFFFFFFFF  }
0xa5: {  	s26 =	simm.s32 $execute0_lowered;
	[smem:$0x3FD2] =	sst s25  }
0xa6: {  	s5 =	sshll.u32 s26, $0x1;
	_ =	strace $0x80000046;
	[dreg:$0x1] =	wrdreg $0xFFFFFFFF  }
0xa7: {  	s28 =	simm.s32 $_size_execute0_lowered;
	s3 =	sadd.s32 s3, s5;
	[dreg:$0x0] =	wrdreg $0x0  }
0xa8: {  	s5 =	sshll.u32 s28, $0x1;
	[dreg:$0x2] =	wrdreg s3  }
0xa9: {  	[dreg:$0x3] =	wrdreg s5  }
0xaa: {  	[dreg:$0x4] =	wrdreg $0xC0  }
0xab: {  	_ =	task [dreg:s7], $0x5FFFF  }
0xac: {  	[dreg:$0x1] =	wrdreg $0xFFFFFFFF  }
0xad: {  	[dreg:$0x0] =	wrdreg $0x60  }
0xae: {  	[dreg:$0x2] =	wrdreg s24  }
0xaf: {  	[dreg:$0x3] =	wrdreg s2  }
0xb0: {  	[dreg:$0x4] =	wrdreg $0x82800  }
0xb1: {  	[dreg:$0x5] =	wrdreg $0x9  }
0xb2: {  	_ =	task.clear_ibuf [dreg:s7], $0x6FFFF;
	_ =	strace $0x90000046  }
0xb3: {  	s29 =	simm.s32 $0x9;
	_ =	strace $0x8000004E  }
0xb4: {  	_ =	swait.ge [sflag:s29], $0x1  }
0xb5: {  	[sflag:s29] =	ssyncadd.s32 $0xFFFFFFFF  }
0xb6: {  	_ =	strace $0x9000004E  }
0xb7: {  	_ =	sfence  }
0xb8: {  	s30 =	sld [smem:$0x0];
	_ =	sdelay $0x2  }
0xb9: {  	s31 =	sshll.u32 s1, $0xD;
	s1 =	sshrl.u32 s1, $0x2  }
0xba: {  	s3 =	sand.u32 $0x4000, s31;
	s1 =	sadd.s32 s1, s30  }
0xbb: {  	s0 =	sor.u32 s3, s0;
	s1 =	sshll.u32 s1, $0x11  }
0xbc: {  	s0 =	sor.u32 s1, s0  }
0xbd: {  	s0 =	sadd.s32 $0x8F2B, s0  }
0xbe: {  	[sflag:s0] =	ssyncadd.remote.s32 $0x1  }
0xbf: {  	_ =	sfence.sel $0xFFFF  }
0xc0: {  	[dreg:$0x0] =	wrdreg $0xFFFFFFFF;
	(pc) =	sbr.abs _section_cstart, $3  }
0xc1: {  	[dreg:$0x1] =	wrdreg $0xFFFFFFFF  }
0xc2: {  	_ =	task.clear_ibuf [dreg:s7], $0x2FFFF;
	_ =	strace $0x9FFFFFFF  }
0xc3: {  	(tm) =	ssettm $0x7FFFFFFF  }
tec
execute0_lowered:
.L_overlay_start_1:
0x0: {  	(tag) =	ssettag $0x1  }
0x1: {  	s0 =	rddreg [dreg:$0x0]  }
0x2: {  	s9 =	rddreg [dreg:$0x1];
	s1 =	simm.s32 $0x0  }
0x3: {  	s2 =	srdreg.scid;
	s7 =	stileid.u32;
	s30 =	simm.s32 $0x8200  }
0x4: {  	s31 =	simm.s32 $0x3;
	[smem:$0x7FF] =	sst s1;
	s4 =	smul.u32 $0x2800, s7  }
0x5: {  	s2 =	sand.u32 $0x1, s2;
	s10 =	sadd.s32 $0x2600, s0;
	s13 =	smul.u32 $0x280, s7  }
0x6: {  	s8 =	sadd.s32 $0x5C600, s0;
	s11 =	sadd.s32 $0x5CC00, s0;
	s3 =	smul.u32 $0x28000, s2  }
0x7: {  	s12 =	sadd.s32 $0xACC00, s0;
	s5 =	ssub.s32 $0x2, s2;
	s16 =	smul.u32 $0x2800, s2  }
0x8: {  	s6 =	sshrl.u32 s5, $0x1;
	s18 =	sadd.s32 $0x80, s13;
	s19 =	sadd.s32 $0x100, s13  }
0x9: {  	s20 =	sadd.s32 $0x180, s13;
	s14 =	sadd.s32 s4, s3;
	s15 =	ssub.s32 s5, s6  }
0xa: {  	s6 =	sshrl.u32 s13, $0x3;
	s7 =	sshrl.u32 s18, $0x3;
	s21 =	sshrl.u32 s19, $0x3  }
0xb: {  	s22 =	sshrl.u32 s20, $0x3;
	s18 =	sadd.s32 s16, s18;
	s19 =	sadd.s32 s16, s19  }
0xc: {  	s20 =	sadd.s32 s16, s20;
	s26 =	sshrl.u32 s14, $0x3;
	s4 =	sadd.s32 s8, s6  }
0xd: {  	s5 =	sadd.s32 s8, s7;
	s6 =	sadd.s32 s8, s21;
	s7 =	sadd.s32 s8, s22  }
0xe: {  	s21 =	sadd.s32 $0x200, s13;
	s13 =	sadd.s32 s16, s13;
	s18 =	sshll.u32 s18, $0x4  }
0xf: {  	s19 =	sshll.u32 s19, $0x4;
	s20 =	sshll.u32 s20, $0x4;
	s2 =	sadd.s32 s10, s26  }
0x10: {  	s3 =	sadd.s32 s9, s26;
	s17 =	sadd.s32 $0x4F0, s26;
	s24 =	sadd.s32 s12, s18  }
0x11: {  	s22 =	sshrl.u32 s21, $0x3;
	s25 =	sadd.s32 s12, s19;
	[dreg:$0x5] =	wrdreg s24  }
0x12: {  	s13 =	sshll.u32 s13, $0x4;
	s26 =	sadd.s32 s12, s20;
	[dreg:$0x6] =	wrdreg s25  }
0x13: {  	s16 =	sadd.s32 s16, s21;
	s23 =	sadd.s32 s12, s13;
	[dreg:$0x7] =	wrdreg s26  }
0x14: {  	s8 =	sadd.s32 s8, s22;
	s21 =	sadd.s32 s11, s13;
	[dreg:$0x4] =	wrdreg s23  }
0x15: {  	s16 =	sshll.u32 s16, $0x4;
	s22 =	sadd.s32 s11, s18;
	[dreg:$0x9] =	wrdreg s21  }
0x16: {  	s24 =	sadd.s32 s11, s20;
	s25 =	sadd.s32 s10, s17;
	[dreg:$0xa] =	wrdreg s22  }
0x17: {  	s26 =	sor.u32 $0x100, s14;
	s28 =	sadd.s32 $0x10, s2;
	[dreg:$0xc] =	wrdreg s24  }
0x18: {  	s29 =	sadd.s32 $0x10, s3;
	s20 =	simm.s32 $0x80;
	[dreg:$0xe] =	wrdreg s25  }
0x19: {  	s13 =	simm.s32 $0x2;
	s12 =	sadd.s32 s12, s16;
	s22 =	rddreg [dreg:$0x2]  }
0x1a: {  	s14 =	simm.s32 $0x0;
	s23 =	sadd.s32 s11, s19;
	[dreg:$0x8] =	wrdreg s12  }
0x1b: {  	s11 =	sadd.s32 s11, s16;
	s21 =	sadd.s32 s9, s17;
	[dreg:$0xb] =	wrdreg s23  }
0x1c: {  	s25 =	sadd.s32 $0xC600, s0;
	s0 =	simm.s32 $0x4200;
	[dreg:$0xd] =	wrdreg s11  }
0x1d: {  	s11 =	sshrl.u32 s26, $0x3;
	s26 =	smax.u32 s15, $0x1;
	s12 =	simm.s32 $0x1  }
0x1e: {  	s23 =	sadd.s32 s11, s9;
	s24 =	sadd.s32 s11, s10;
	_ =	strace $0x80000047  }
0x1f: {  	v0 =	vimm.f32 $0.0e+00;
	v1 =	vimm.f32 $1.000000000e+00;
	s9 =	simm.s32 $0x100;
	s10 =	simm.s32 $0x200;
	s11 =	simm.s32 $0x180  }
.LBB2_1:
0x20: {  	s15 =	simm.s32 $0x0;
	s16 =	simm.s32 $0x200  }
.LBB2_2:
0x21: {  	p0 =	sne.s32 s16, $0xFE00;
	[tilespmem:s15+$0x270] =	vst v1  }
0x22: {  	[tilespmem:s15+$0x4200] =	vst v0  }
0x23: {  	[tilespmem:s15+$0x4210] =	vst v0  }
0x24: {  	[tilespmem:s15+$0x4220] =	vst v0  }
0x25: {  	[tilespmem:s15+$0x4230] =	vst v0  }
0x26: {  	[tilespmem:s15+$0x4240] =	vst v0  }
0x27: {  	[tilespmem:s15+$0x4250] =	vst v0  }
0x28: {  	[tilespmem:s15+$0x4260] =	vst v0  }
0x29: {  	[tilespmem:s15+$0x4270] =	vst v0  }
0x2a: {  	[tilespmem:s15+$0x200] =	vst v1  }
0x2b: {  	[tilespmem:s15+$0x210] =	vst v1  }
.Ltmp0:
0x2c: {  	[tilespmem:s15+$0x220] =	vst v1;
	(pc) =	sbr.rel @p0 .LBB2_2-.Ltmp0, $4  }
0x2d: {  	[tilespmem:s15+$0x230] =	vst v1  }
0x2e: {  	[tilespmem:s15+$0x240] =	vst v1  }
0x2f: {  	[tilespmem:s15+$0x250] =	vst v1  }
0x30: {  	[tilespmem:s15+$0x260] =	vst v1;
	s15 =	sshra.s32 s16, $0x2;
	s16 =	sadd.s32 $0x200, s16  }
0x31: {  	[tilespmem:s15+$0x270] =	vst v1  }
0x32: {  	[tilespmem:s15+$0x4200] =	vst v0  }
0x33: {  	[tilespmem:s15+$0x4210] =	vst v0  }
0x34: {  	[tilespmem:s15+$0x4220] =	vst v0  }
0x35: {  	[tilespmem:s15+$0x4230] =	vst v0  }
0x36: {  	[tilespmem:s15+$0x4240] =	vst v0  }
0x37: {  	[tilespmem:s15+$0x4250] =	vst v0  }
0x38: {  	[tilespmem:s15+$0x4260] =	vst v0  }
0x39: {  	[tilespmem:s15+$0x4270] =	vst v0  }
0x3a: {  	[tilespmem:s15+$0x200] =	vst v1  }
0x3b: {  	[tilespmem:s15+$0x210] =	vst v1  }
0x3c: {  	[tilespmem:s15+$0x220] =	vst v1  }
0x3d: {  	[tilespmem:s15+$0x230] =	vst v1  }
0x3e: {  	[tilespmem:s15+$0x240] =	vst v1  }
0x3f: {  	[tilespmem:s15+$0x250] =	vst v1  }
0x40: {  	[tilespmem:s15+$0x260] =	vst v1  }
0x41: {  	s18 =	simm.s32 $0x0;
	_ =	strace $0x80000048  }
0x42: {  	[tilespmem:s30], [sflag:$0x3] =	stream.linear.gather [hbm4b:s4+s18], $0x80, $0x200038;
	[tilespmem:$0x1C280] =	vst v63  }
0x43: {  	_ =	swait.ge [sflag:s31], $0x80  }
0x44: {  	[sflag:s31] =	ssyncset.done $0x0  }
0x45: {  	[sflag:s31] =	ssyncadd.s32 $0xFFFFFF80  }
0x46: {  	[spmem:s22] =	stream.indirect.scatter [tilespmem:s0], [sflag:$0x3], $0x80, s30, s20, $0x2000b8;
	[tilespmem:$0x1C280] =	vst v63  }
0x47: {  	_ =	swait.ge [sflag:s31], $0x4000  }
0x48: {  	[sflag:s31] =	ssyncset.done $0x0  }
0x49: {  	[sflag:s31] =	ssyncadd.s32 $0xFFFFC000  }
0x4a: {  	[tilespmem:s30], [sflag:$0x3] =	stream.linear.gather [hbm4b:s5+s18], $0x80, $0x200038;
	[tilespmem:$0x1C280] =	vst v63  }
0x4b: {  	_ =	swait.ge [sflag:s31], $0x80  }
0x4c: {  	[sflag:s31] =	ssyncset.done $0x0  }
0x4d: {  	[sflag:s31] =	ssyncadd.s32 $0xFFFFFF80  }
0x4e: {  	[spmem:s22] =	stream.indirect.scatter [tilespmem:s0], [sflag:$0x3], $0x80, s30, s20, $0x2000b8;
	[tilespmem:$0x1C280] =	vst v63  }
0x4f: {  	_ =	swait.ge [sflag:s31], $0x4000  }
0x50: {  	[sflag:s31] =	ssyncset.done $0x0  }
0x51: {  	[sflag:s31] =	ssyncadd.s32 $0xFFFFC000  }
0x52: {  	[tilespmem:s30], [sflag:$0x3] =	stream.linear.gather [hbm4b:s6+s18], $0x80, $0x200038;
	[tilespmem:$0x1C280] =	vst v63  }
0x53: {  	_ =	swait.ge [sflag:s31], $0x80  }
0x54: {  	[sflag:s31] =	ssyncset.done $0x0  }
0x55: {  	[sflag:s31] =	ssyncadd.s32 $0xFFFFFF80  }
0x56: {  	[spmem:s22] =	stream.indirect.scatter [tilespmem:s0], [sflag:$0x3], $0x80, s30, s20, $0x2000b8;
	[tilespmem:$0x1C280] =	vst v63  }
0x57: {  	_ =	swait.ge [sflag:s31], $0x4000  }
0x58: {  	[sflag:s31] =	ssyncset.done $0x0  }
0x59: {  	[sflag:s31] =	ssyncadd.s32 $0xFFFFC000  }
0x5a: {  	[tilespmem:s30], [sflag:$0x3] =	stream.linear.gather [hbm4b:s7+s18], $0x80, $0x200038;
	[tilespmem:$0x1C280] =	vst v63  }
0x5b: {  	_ =	swait.ge [sflag:s31], $0x80  }
0x5c: {  	[sflag:s31] =	ssyncset.done $0x0  }
0x5d: {  	[sflag:s31] =	ssyncadd.s32 $0xFFFFFF80  }
0x5e: {  	[spmem:s22] =	stream.indirect.scatter [tilespmem:s0], [sflag:$0x3], $0x80, s30, s20, $0x2000b8;
	[tilespmem:$0x1C280] =	vst v63  }
0x5f: {  	_ =	swait.ge [sflag:s31], $0x4000  }
0x60: {  	[sflag:s31] =	ssyncset.done $0x0  }
0x61: {  	[sflag:s31] =	ssyncadd.s32 $0xFFFFC000  }
0x62: {  	[tilespmem:s30], [sflag:$0x3] =	stream.linear.gather [hbm4b:s8+s18], $0x80, $0x200038;
	[tilespmem:$0x1C280] =	vst v63  }
0x63: {  	_ =	swait.ge [sflag:s31], $0x80  }
0x64: {  	[sflag:s31] =	ssyncset.done $0x0  }
0x65: {  	[sflag:s31] =	ssyncadd.s32 $0xFFFFFF80  }
0x66: {  	[spmem:s22] =	stream.indirect.scatter [tilespmem:s0], [sflag:$0x3], $0x80, s30, s20, $0x2000b8;
	[tilespmem:$0x1C280] =	vst v63  }
0x67: {  	_ =	swait.ge [sflag:s31], $0x4000  }
0x68: {  	[sflag:s31] =	ssyncset.done $0x0  }
0x69: {  	[sflag:s31] =	ssyncadd.s32 $0xFFFFC000  }
0x6a: {  	_ =	strace $0x90000048  }
0x6b: {  	[bflag:$0x0] =	sbarrier.arrive $0xFFFF  }
0x6c: {  	s19 =	sadd.s32 $0x0, s3;
	_ =	strace $0x80000049  }
0x6d: {  	[tilespmem:s9], [sflag:$0x3] =	stream.linear.gather [hbm4b:s19+s1], $0x80, $0x200038;
	[tilespmem:$0x1C280] =	vst v63  }
0x6e: {  	_ =	swait.ge [sflag:s31], $0x80  }
0x6f: {  	[sflag:s31] =	ssyncset.done $0x0  }
0x70: {  	[sflag:s31] =	ssyncadd.s32 $0xFFFFFF80  }
0x71: {  	[spmem:s22] =	stream.indirect.scatter.add.f32 [tilespmem:s10], [sflag:$0x3], $0x80, s9, s20, $0x2000b8;
	[tilespmem:$0x1C280] =	vst v63  }
0x72: {  	_ =	swait.ge [sflag:s31], $0x4000  }
0x73: {  	s15 =	simm.s32 $0x10;
	s16 =	simm.s32 $0x20;
	[sflag:s31] =	ssyncset.done $0x0  }
.LBB2_4:
0x74: {  	s17 =	sadd.s32 s15, s3  }
0x75: {  	[sflag:s31] =	ssyncadd.s32 $0xFFFFC000;
	s15 =	smov.u32 s16;
	s18 =	sadd.s32 $0x10, s16  }
0x76: {  	[tilespmem:s9], [sflag:$0x3] =	stream.linear.gather [hbm4b:s17+s1], $0x80, $0x200038;
	[tilespmem:$0x1C280] =	vst v63  }
0x77: {  	p0 =	sne.s32 s16, $0x4F0;
	_ =	swait.ge [sflag:s31], $0x80  }
.Ltmp1:
0x78: {  	[sflag:s31] =	ssyncset.done $0x0;
	(pc) =	sbr.rel @p0 .LBB2_4-.Ltmp1, $4  }
0x79: {  	[sflag:s31] =	ssyncadd.s32 $0xFFFFFF80  }
0x7a: {  	[spmem:s22] =	stream.indirect.scatter.add.f32 [tilespmem:s10], [sflag:$0x3], $0x80, s9, s20, $0x2000b8;
	[tilespmem:$0x1C280] =	vst v63  }
0x7b: {  	_ =	swait.ge [sflag:s31], $0x4000  }
0x7c: {  	s16 =	smov.u32 s18;
	[sflag:s31] =	ssyncset.done $0x0  }
0x7d: {  	s15 =	sadd.s32 s15, s3;
	[sflag:s31] =	ssyncadd.s32 $0xFFFFC000  }
0x7e: {  	[tilespmem:s9], [sflag:$0x3] =	stream.linear.gather [hbm4b:s15+s1], $0x80, $0x200038;
	[tilespmem:$0x1C280] =	vst v63  }
0x7f: {  	_ =	swait.ge [sflag:s31], $0x80  }
0x80: {  	[sflag:s31] =	ssyncset.done $0x0  }
0x81: {  	[sflag:s31] =	ssyncadd.s32 $0xFFFFFF80  }
0x82: {  	[spmem:s22] =	stream.indirect.scatter.add.f32 [tilespmem:s10], [sflag:$0x3], $0x80, s9, s20, $0x2000b8;
	[tilespmem:$0x1C280] =	vst v63  }
0x83: {  	_ =	swait.ge [sflag:s31], $0x4000  }
0x84: {  	[sflag:s31] =	ssyncset.done $0x0  }
0x85: {  	[sflag:s31] =	ssyncadd.s32 $0xFFFFC000  }
0x86: {  	_ =	strace $0x90000049  }
0x87: {  	[bflag:$0x0] =	sbarrier.arrive $0xFFFF  }
0x88: {  	s15 =	simm.s32 $0x0;
	_ =	strace $0x8000004A  }
0x89: {  	[tilespmem:s30], [sflag:$0x3] =	stream.linear.gather [hbm4b:s4+s15], $0x80, $0x200038;
	[tilespmem:$0x1C280] =	vst v63  }
0x8a: {  	_ =	swait.ge [sflag:s31], $0x80  }
0x8b: {  	[sflag:s31] =	ssyncset.done $0x0  }
0x8c: {  	[sflag:s31] =	ssyncadd.s32 $0xFFFFFF80  }
0x8d: {  	[tilespmem:s10], [sflag:$0x3] =	stream.indirect.gather [spmem:s22], $0x80, s30, s20, $0x2000b8;
	[tilespmem:$0x1C280] =	vst v63  }
0x8e: {  	_ =	swait.ge [sflag:s31], $0x4000  }
0x8f: {  	[sflag:s31] =	ssyncset.done $0x0  }
0x90: {  	s16 =	rddreg [dreg:$0x4];
	[sflag:s31] =	ssyncadd.s32 $0xFFFFC000  }
0x91: {  	[hbm4b:s16+s15] =	stream.linear.scatter [tilespmem:s10], [sflag:$0x3], $0x4000, $0x200038;
	[tilespmem:$0x1C280] =	vst v63  }
0x92: {  	_ =	swait.ge [sflag:s31], $0x4000  }
0x93: {  	[sflag:s31] =	ssyncset.done $0x0  }
0x94: {  	[sflag:s31] =	ssyncadd.s32 $0xFFFFC000  }
0x95: {  	[tilespmem:s30], [sflag:$0x3] =	stream.linear.gather [hbm4b:s5+s15], $0x80, $0x200038;
	[tilespmem:$0x1C280] =	vst v63  }
0x96: {  	_ =	swait.ge [sflag:s31], $0x80  }
0x97: {  	[sflag:s31] =	ssyncset.done $0x0  }
0x98: {  	[sflag:s31] =	ssyncadd.s32 $0xFFFFFF80  }
0x99: {  	[tilespmem:s10], [sflag:$0x3] =	stream.indirect.gather [spmem:s22], $0x80, s30, s20, $0x2000b8;
	[tilespmem:$0x1C280] =	vst v63  }
0x9a: {  	_ =	swait.ge [sflag:s31], $0x4000  }
0x9b: {  	[sflag:s31] =	ssyncset.done $0x0  }
0x9c: {  	s19 =	rddreg [dreg:$0x5];
	[sflag:s31] =	ssyncadd.s32 $0xFFFFC000  }
0x9d: {  	[hbm4b:s19+s15] =	stream.linear.scatter [tilespmem:s10], [sflag:$0x3], $0x4000, $0x200038;
	[tilespmem:$0x1C280] =	vst v63  }
0x9e: {  	_ =	swait.ge [sflag:s31], $0x4000  }
0x9f: {  	[sflag:s31] =	ssyncset.done $0x0  }
0xa0: {  	[sflag:s31] =	ssyncadd.s32 $0xFFFFC000  }
0xa1: {  	[tilespmem:s30], [sflag:$0x3] =	stream.linear.gather [hbm4b:s6+s15], $0x80, $0x200038;
	[tilespmem:$0x1C280] =	vst v63  }
0xa2: {  	_ =	swait.ge [sflag:s31], $0x80  }
0xa3: {  	[sflag:s31] =	ssyncset.done $0x0  }
0xa4: {  	[sflag:s31] =	ssyncadd.s32 $0xFFFFFF80  }
0xa5: {  	[tilespmem:s10], [sflag:$0x3] =	stream.indirect.gather [spmem:s22], $0x80, s30, s20, $0x2000b8;
	[tilespmem:$0x1C280] =	vst v63  }
0xa6: {  	_ =	swait.ge [sflag:s31], $0x4000  }
0xa7: {  	[sflag:s31] =	ssyncset.done $0x0  }
0xa8: {  	s17 =	rddreg [dreg:$0x6];
	[sflag:s31] =	ssyncadd.s32 $0xFFFFC000  }
0xa9: {  	[hbm4b:s17+s15] =	stream.linear.scatter [tilespmem:s10], [sflag:$0x3], $0x4000, $0x200038;
	[tilespmem:$0x1C280] =	vst v63  }
0xaa: {  	_ =	swait.ge [sflag:s31], $0x4000  }
0xab: {  	[sflag:s31] =	ssyncset.done $0x0  }
0xac: {  	[sflag:s31] =	ssyncadd.s32 $0xFFFFC000  }
0xad: {  	[tilespmem:s30], [sflag:$0x3] =	stream.linear.gather [hbm4b:s7+s15], $0x80, $0x200038;
	[tilespmem:$0x1C280] =	vst v63  }
0xae: {  	_ =	swait.ge [sflag:s31], $0x80  }
0xaf: {  	[sflag:s31] =	ssyncset.done $0x0  }
0xb0: {  	[sflag:s31] =	ssyncadd.s32 $0xFFFFFF80  }
0xb1: {  	[tilespmem:s10], [sflag:$0x3] =	stream.indirect.gather [spmem:s22], $0x80, s30, s20, $0x2000b8;
	[tilespmem:$0x1C280] =	vst v63  }
0xb2: {  	_ =	swait.ge [sflag:s31], $0x4000  }
0xb3: {  	[sflag:s31] =	ssyncset.done $0x0  }
0xb4: {  	s18 =	rddreg [dreg:$0x7];
	[sflag:s31] =	ssyncadd.s32 $0xFFFFC000  }
0xb5: {  	[hbm4b:s18+s15] =	stream.linear.scatter [tilespmem:s10], [sflag:$0x3], $0x4000, $0x200038;
	[tilespmem:$0x1C280] =	vst v63  }
0xb6: {  	_ =	swait.ge [sflag:s31], $0x4000  }
0xb7: {  	[sflag:s31] =	ssyncset.done $0x0  }
0xb8: {  	[sflag:s31] =	ssyncadd.s32 $0xFFFFC000  }
0xb9: {  	[tilespmem:s30], [sflag:$0x3] =	stream.linear.gather [hbm4b:s8+s15], $0x80, $0x200038;
	[tilespmem:$0x1C280] =	vst v63  }
0xba: {  	_ =	swait.ge [sflag:s31], $0x80  }
0xbb: {  	[sflag:s31] =	ssyncset.done $0x0  }
0xbc: {  	[sflag:s31] =	ssyncadd.s32 $0xFFFFFF80  }
0xbd: {  	[tilespmem:s10], [sflag:$0x3] =	stream.indirect.gather [spmem:s22], $0x80, s30, s20, $0x2000b8;
	[tilespmem:$0x1C280] =	vst v63  }
0xbe: {  	_ =	swait.ge [sflag:s31], $0x4000  }
0xbf: {  	[sflag:s31] =	ssyncset.done $0x0  }
0xc0: {  	s19 =	rddreg [dreg:$0x8];
	[sflag:s31] =	ssyncadd.s32 $0xFFFFC000  }
0xc1: {  	[hbm4b:s19+s15] =	stream.linear.scatter [tilespmem:s10], [sflag:$0x3], $0x4000, $0x200038;
	[tilespmem:$0x1C280] =	vst v63  }
0xc2: {  	_ =	swait.ge [sflag:s31], $0x4000  }
0xc3: {  	[sflag:s31] =	ssyncset.done $0x0  }
0xc4: {  	[sflag:s31] =	ssyncadd.s32 $0xFFFFC000  }
0xc5: {  	_ =	strace $0x9000004A  }
0xc6: {  	[bflag:$0x0] =	sbarrier.arrive $0xFFFF  }
0xc7: {  	_ =	strace $0x8000004B  }
0xc8: {  	[tilespmem:s30], [sflag:$0x3] =	stream.linear.gather [hbm4b:s4+s15], $0x80, $0x200038;
	[tilespmem:$0x1C280] =	vst v63  }
0xc9: {  	_ =	swait.ge [sflag:s31], $0x80  }
0xca: {  	[sflag:s31] =	ssyncset.done $0x0  }
0xcb: {  	[sflag:s31] =	ssyncadd.s32 $0xFFFFFF80  }
0xcc: {  	[spmem:s22] =	stream.indirect.scatter [tilespmem:s0], [sflag:$0x3], $0x80, s30, s20, $0x2000b8;
	[tilespmem:$0x1C280] =	vst v63  }
0xcd: {  	_ =	swait.ge [sflag:s31], $0x4000  }
0xce: {  	[sflag:s31] =	ssyncset.done $0x0  }
0xcf: {  	[sflag:s31] =	ssyncadd.s32 $0xFFFFC000  }
0xd0: {  	[tilespmem:s30], [sflag:$0x3] =	stream.linear.gather [hbm4b:s5+s15], $0x80, $0x200038;
	[tilespmem:$0x1C280] =	vst v63  }
0xd1: {  	_ =	swait.ge [sflag:s31], $0x80  }
0xd2: {  	[sflag:s31] =	ssyncset.done $0x0  }
0xd3: {  	[sflag:s31] =	ssyncadd.s32 $0xFFFFFF80  }
0xd4: {  	[spmem:s22] =	stream.indirect.scatter [tilespmem:s0], [sflag:$0x3], $0x80, s30, s20, $0x2000b8;
	[tilespmem:$0x1C280] =	vst v63  }
0xd5: {  	_ =	swait.ge [sflag:s31], $0x4000  }
0xd6: {  	[sflag:s31] =	ssyncset.done $0x0  }
0xd7: {  	[sflag:s31] =	ssyncadd.s32 $0xFFFFC000  }
0xd8: {  	[tilespmem:s30], [sflag:$0x3] =	stream.linear.gather [hbm4b:s6+s15], $0x80, $0x200038;
	[tilespmem:$0x1C280] =	vst v63  }
0xd9: {  	_ =	swait.ge [sflag:s31], $0x80  }
0xda: {  	[sflag:s31] =	ssyncset.done $0x0  }
0xdb: {  	[sflag:s31] =	ssyncadd.s32 $0xFFFFFF80  }
0xdc: {  	[spmem:s22] =	stream.indirect.scatter [tilespmem:s0], [sflag:$0x3], $0x80, s30, s20, $0x2000b8;
	[tilespmem:$0x1C280] =	vst v63  }
0xdd: {  	_ =	swait.ge [sflag:s31], $0x4000  }
0xde: {  	[sflag:s31] =	ssyncset.done $0x0  }
0xdf: {  	[sflag:s31] =	ssyncadd.s32 $0xFFFFC000  }
0xe0: {  	[tilespmem:s30], [sflag:$0x3] =	stream.linear.gather [hbm4b:s7+s15], $0x80, $0x200038;
	[tilespmem:$0x1C280] =	vst v63  }
0xe1: {  	_ =	swait.ge [sflag:s31], $0x80  }
0xe2: {  	[sflag:s31] =	ssyncset.done $0x0  }
0xe3: {  	[sflag:s31] =	ssyncadd.s32 $0xFFFFFF80  }
0xe4: {  	[spmem:s22] =	stream.indirect.scatter [tilespmem:s0], [sflag:$0x3], $0x80, s30, s20, $0x2000b8;
	[tilespmem:$0x1C280] =	vst v63  }
0xe5: {  	_ =	swait.ge [sflag:s31], $0x4000  }
0xe6: {  	[sflag:s31] =	ssyncset.done $0x0  }
0xe7: {  	[sflag:s31] =	ssyncadd.s32 $0xFFFFC000  }
0xe8: {  	[tilespmem:s30], [sflag:$0x3] =	stream.linear.gather [hbm4b:s8+s15], $0x80, $0x200038;
	[tilespmem:$0x1C280] =	vst v63  }
0xe9: {  	_ =	swait.ge [sflag:s31], $0x80  }
0xea: {  	[sflag:s31] =	ssyncset.done $0x0  }
0xeb: {  	[sflag:s31] =	ssyncadd.s32 $0xFFFFFF80  }
0xec: {  	[spmem:s22] =	stream.indirect.scatter [tilespmem:s0], [sflag:$0x3], $0x80, s30, s20, $0x2000b8;
	[tilespmem:$0x1C280] =	vst v63  }
0xed: {  	_ =	swait.ge [sflag:s31], $0x4000  }
0xee: {  	[sflag:s31] =	ssyncset.done $0x0  }
0xef: {  	[sflag:s31] =	ssyncadd.s32 $0xFFFFC000  }
0xf0: {  	_ =	strace $0x9000004B  }
0xf1: {  	[bflag:$0x0] =	sbarrier.arrive $0xFFFF  }
0xf2: {  	_ =	strace $0x8000004C  }
0xf3: {  	[tilespmem:s15], [sflag:$0x3] =	stream.linear.gather [hbm4b:s2+s15], $0x80, $0x200038;
	[tilespmem:$0x1C280] =	vst v63  }
0xf4: {  	_ =	swait.ge [sflag:s31], $0x80  }
0xf5: {  	[sflag:s31] =	ssyncset.done $0x0  }
0xf6: {  	[sflag:s31] =	ssyncadd.s32 $0xFFFFFF80  }
0xf7: {  	[tilespmem:s9], [sflag:$0x3] =	stream.linear.gather [hbm4b:s3+s15], $0x80, $0x200038;
	[tilespmem:$0x1C280] =	vst v63  }
0xf8: {  	_ =	swait.ge [sflag:s31], $0x80  }
0xf9: {  	[sflag:s31] =	ssyncset.done $0x0  }
0xfa: {  	[sflag:s31] =	ssyncadd.s32 $0xFFFFFF80  }
0xfb: {  	[tilespmem:s10], [sflag:$0x1] =	stream.indirect.gather [hbm4b:s25+s20], $0x80, s15, s20, $0x2000b8;
	[tilespmem:$0x1C280] =	vst v63  }
0xfc: {  	s16 =	sadd.s32 $0x0, s28  }
0xfd: {  	[tilespmem:s20], [sflag:$0x3] =	stream.linear.gather [hbm4b:s16+s1], $0x80, $0x200038;
	[tilespmem:$0x1C280] =	vst v63  }
0xfe: {  	_ =	swait.ge [sflag:s31], $0x80  }
0xff: {  	[sflag:s31] =	ssyncset.done $0x0  }
0x100: {  	s17 =	sadd.s32 $0x0, s29;
	[sflag:s31] =	ssyncadd.s32 $0xFFFFFF80  }
0x101: {  	[tilespmem:s11], [sflag:$0x3] =	stream.linear.gather [hbm4b:s17+s1], $0x80, $0x200038;
	[tilespmem:$0x1C280] =	vst v63  }
0x102: {  	_ =	swait.ge [sflag:s31], $0x80  }
0x103: {  	[sflag:s31] =	ssyncset.done $0x0  }
0x104: {  	[sflag:s31] =	ssyncadd.s32 $0xFFFFFF80  }
0x105: {  	_ =	swait.ge [sflag:s12], $0x4000  }
0x106: {  	[sflag:s12] =	ssyncset.done $0x0  }
0x107: {  	[sflag:s12] =	ssyncadd.s32 $0xFFFFC000  }
0x108: {  	[tilespmem:s0], [sflag:$0x2] =	stream.indirect.gather [hbm4b:s25+s20], $0x80, s20, s20, $0x2000b8;
	[tilespmem:$0x1C280] =	vst v63  }
0x109: {  	_ = 	snop  }
0x10a: {  	[spmem:s22] =	stream.indirect.scatter.add.f32 [tilespmem:s10], [sflag:$0x3], $0x80, s9, s20, $0x2000b8;
	[tilespmem:$0x1C280] =	vst v63  }
0x10b: {  	_ =	swait.ge [sflag:s31], $0x4000  }
0x10c: {  	[sflag:s31] =	ssyncset.done $0x0  }
0x10d: {  	s18 =	sadd.s32 $0x0, s24;
	[sflag:s31] =	ssyncadd.s32 $0xFFFFC000  }
0x10e: {  	[tilespmem:s1], [sflag:$0x3] =	stream.linear.gather [hbm4b:s18+s1], $0x80, $0x200038;
	[tilespmem:$0x1C280] =	vst v63  }
0x10f: {  	_ =	swait.ge [sflag:s31], $0x80  }
0x110: {  	[sflag:s31] =	ssyncset.done $0x0  }
0x111: {  	s19 =	sadd.s32 $0x0, s23;
	[sflag:s31] =	ssyncadd.s32 $0xFFFFFF80  }
0x112: {  	[tilespmem:s9], [sflag:$0x3] =	stream.linear.gather [hbm4b:s19+s1], $0x80, $0x200038;
	[tilespmem:$0x1C280] =	vst v63  }
0x113: {  	_ =	swait.ge [sflag:s31], $0x80  }
0x114: {  	[sflag:s31] =	ssyncset.done $0x0  }
0x115: {  	[sflag:s31] =	ssyncadd.s32 $0xFFFFFF80  }
0x116: {  	[tilespmem:s10], [sflag:$0x1] =	stream.indirect.gather [hbm4b:s25+s20], $0x80, s1, s20, $0x2000b8;
	[tilespmem:$0x1C280] =	vst v63  }
0x117: {  	_ =	swait.ge [sflag:s13], $0x4000  }
0x118: {  	[sflag:s13] =	ssyncset.done $0x0  }
0x119: {  	[sflag:s13] =	ssyncadd.s32 $0xFFFFC000  }
0x11a: {  	[spmem:s22] =	stream.indirect.scatter.add.f32 [tilespmem:s0], [sflag:$0x3], $0x80, s11, s20, $0x2000b8;
	[tilespmem:$0x1C280] =	vst v63  }
0x11b: {  	_ =	swait.ge [sflag:s31], $0x4000  }
0x11c: {  	s15 =	simm.s32 $0x20;
	s16 =	simm.s32 $0x40;
	[sflag:s31] =	ssyncset.done $0x0  }
.LBB2_6:
0x11d: {  	s18 =	sadd.s32 s15, s28  }
0x11e: {  	[sflag:s31] =	ssyncadd.s32 $0xFFFFC000;
	s19 =	smov.u32 s16;
	s17 =	sadd.s32 $0x20, s16  }
0x11f: {  	[tilespmem:s20], [sflag:$0x3] =	stream.linear.gather [hbm4b:s18+s1], $0x80, $0x200038;
	[tilespmem:$0x1C280] =	vst v63  }
0x120: {  	p0 =	sne.s32 s16, $0x4C0;
	_ =	swait.ge [sflag:s31], $0x80  }
0x121: {  	[sflag:s31] =	ssyncset.done $0x0  }
0x122: {  	s16 =	sadd.s32 s15, s29;
	[sflag:s31] =	ssyncadd.s32 $0xFFFFFF80  }
0x123: {  	[tilespmem:s11], [sflag:$0x3] =	stream.linear.gather [hbm4b:s16+s1], $0x80, $0x200038;
	[tilespmem:$0x1C280] =	vst v63  }
0x124: {  	_ =	swait.ge [sflag:s31], $0x80  }
0x125: {  	[sflag:s31] =	ssyncset.done $0x0  }
0x126: {  	[sflag:s31] =	ssyncadd.s32 $0xFFFFFF80  }
0x127: {  	_ =	swait.ge [sflag:s12], $0x4000  }
0x128: {  	[sflag:s12] =	ssyncset.done $0x0  }
0x129: {  	[sflag:s12] =	ssyncadd.s32 $0xFFFFC000  }
0x12a: {  	[tilespmem:s0], [sflag:$0x2] =	stream.indirect.gather [hbm4b:s25+s20], $0x80, s20, s20, $0x2000b8;
	[tilespmem:$0x1C280] =	vst v63  }
0x12b: {  	_ = 	snop  }
0x12c: {  	[spmem:s22] =	stream.indirect.scatter.add.f32 [tilespmem:s10], [sflag:$0x3], $0x80, s9, s20, $0x2000b8;
	[tilespmem:$0x1C280] =	vst v63  }
0x12d: {  	_ =	swait.ge [sflag:s31], $0x4000  }
0x12e: {  	[sflag:s31] =	ssyncset.done $0x0  }
0x12f: {  	s16 =	sadd.s32 s15, s24;
	[sflag:s31] =	ssyncadd.s32 $0xFFFFC000  }
0x130: {  	[tilespmem:s1], [sflag:$0x3] =	stream.linear.gather [hbm4b:s16+s1], $0x80, $0x200038;
	[tilespmem:$0x1C280] =	vst v63  }
0x131: {  	_ =	swait.ge [sflag:s31], $0x80  }
0x132: {  	[sflag:s31] =	ssyncset.done $0x0  }
0x133: {  	s16 =	sadd.s32 s15, s23;
	s15 =	smov.u32 s19;
	[sflag:s31] =	ssyncadd.s32 $0xFFFFFF80  }
0x134: {  	[tilespmem:s9], [sflag:$0x3] =	stream.linear.gather [hbm4b:s16+s1], $0x80, $0x200038;
	[tilespmem:$0x1C280] =	vst v63  }
0x135: {  	_ =	swait.ge [sflag:s31], $0x80  }
0x136: {  	[sflag:s31] =	ssyncset.done $0x0  }
0x137: {  	[sflag:s31] =	ssyncadd.s32 $0xFFFFFF80  }
0x138: {  	[tilespmem:s10], [sflag:$0x1] =	stream.indirect.gather [hbm4b:s25+s20], $0x80, s1, s20, $0x2000b8;
	[tilespmem:$0x1C280] =	vst v63  }
0x139: {  	_ =	swait.ge [sflag:s13], $0x4000  }
.Ltmp2:
0x13a: {  	[sflag:s13] =	ssyncset.done $0x0;
	(pc) =	sbr.rel @p0 .LBB2_6-.Ltmp2, $4  }
0x13b: {  	[sflag:s13] =	ssyncadd.s32 $0xFFFFC000  }
0x13c: {  	[spmem:s22] =	stream.indirect.scatter.add.f32 [tilespmem:s0], [sflag:$0x3], $0x80, s11, s20, $0x2000b8;
	[tilespmem:$0x1C280] =	vst v63  }
0x13d: {  	_ =	swait.ge [sflag:s31], $0x4000  }
0x13e: {  	s16 =	smov.u32 s17;
	[sflag:s31] =	ssyncset.done $0x0  }
0x13f: {  	s16 =	sadd.s32 s15, s28;
	[sflag:s31] =	ssyncadd.s32 $0xFFFFC000  }
0x140: {  	[tilespmem:s20], [sflag:$0x3] =	stream.linear.gather [hbm4b:s16+s1], $0x80, $0x200038;
	[tilespmem:$0x1C280] =	vst v63  }
0x141: {  	_ =	swait.ge [sflag:s31], $0x80  }
0x142: {  	[sflag:s31] =	ssyncset.done $0x0  }
0x143: {  	s18 =	sadd.s32 s15, s29;
	[sflag:s31] =	ssyncadd.s32 $0xFFFFFF80  }
0x144: {  	[tilespmem:s11], [sflag:$0x3] =	stream.linear.gather [hbm4b:s18+s1], $0x80, $0x200038;
	[tilespmem:$0x1C280] =	vst v63  }
0x145: {  	_ =	swait.ge [sflag:s31], $0x80  }
0x146: {  	[sflag:s31] =	ssyncset.done $0x0  }
0x147: {  	[sflag:s31] =	ssyncadd.s32 $0xFFFFFF80  }
0x148: {  	_ =	swait.ge [sflag:s12], $0x4000  }
0x149: {  	[sflag:s12] =	ssyncset.done $0x0  }
0x14a: {  	[sflag:s12] =	ssyncadd.s32 $0xFFFFC000  }
0x14b: {  	[tilespmem:s0], [sflag:$0x2] =	stream.indirect.gather [hbm4b:s25+s20], $0x80, s20, s20, $0x2000b8;
	[tilespmem:$0x1C280] =	vst v63  }
0x14c: {  	_ = 	snop  }
0x14d: {  	[spmem:s22] =	stream.indirect.scatter.add.f32 [tilespmem:s10], [sflag:$0x3], $0x80, s9, s20, $0x2000b8;
	[tilespmem:$0x1C280] =	vst v63  }
0x14e: {  	_ =	swait.ge [sflag:s31], $0x4000  }
0x14f: {  	[sflag:s31] =	ssyncset.done $0x0  }
0x150: {  	s19 =	sadd.s32 s15, s24;
	[sflag:s31] =	ssyncadd.s32 $0xFFFFC000  }
0x151: {  	[tilespmem:s1], [sflag:$0x3] =	stream.linear.gather [hbm4b:s19+s1], $0x80, $0x200038;
	[tilespmem:$0x1C280] =	vst v63  }
0x152: {  	_ =	swait.ge [sflag:s31], $0x80  }
0x153: {  	[sflag:s31] =	ssyncset.done $0x0  }
0x154: {  	s17 =	sadd.s32 s15, s23;
	[sflag:s31] =	ssyncadd.s32 $0xFFFFFF80  }
0x155: {  	[tilespmem:s9], [sflag:$0x3] =	stream.linear.gather [hbm4b:s17+s1], $0x80, $0x200038;
	[tilespmem:$0x1C280] =	vst v63  }
0x156: {  	_ =	swait.ge [sflag:s31], $0x80  }
0x157: {  	[sflag:s31] =	ssyncset.done $0x0  }
0x158: {  	[sflag:s31] =	ssyncadd.s32 $0xFFFFFF80  }
0x159: {  	[tilespmem:s10], [sflag:$0x1] =	stream.indirect.gather [hbm4b:s25+s20], $0x80, s1, s20, $0x2000b8;
	[tilespmem:$0x1C280] =	vst v63  }
0x15a: {  	_ =	swait.ge [sflag:s13], $0x4000  }
0x15b: {  	[sflag:s13] =	ssyncset.done $0x0  }
0x15c: {  	[sflag:s13] =	ssyncadd.s32 $0xFFFFC000  }
0x15d: {  	[spmem:s22] =	stream.indirect.scatter.add.f32 [tilespmem:s0], [sflag:$0x3], $0x80, s11, s20, $0x2000b8;
	[tilespmem:$0x1C280] =	vst v63  }
0x15e: {  	_ =	swait.ge [sflag:s31], $0x4000  }
0x15f: {  	[sflag:s31] =	ssyncset.done $0x0  }
0x160: {  	s18 =	rddreg [dreg:$0xe];
	[sflag:s31] =	ssyncadd.s32 $0xFFFFC000  }
0x161: {  	[tilespmem:s20], [sflag:$0x3] =	stream.linear.gather [hbm4b:s18+s1], $0x80, $0x200038;
	[tilespmem:$0x1C280] =	vst v63  }
0x162: {  	_ =	swait.ge [sflag:s31], $0x80  }
0x163: {  	[sflag:s31] =	ssyncset.done $0x0  }
0x164: {  	[sflag:s31] =	ssyncadd.s32 $0xFFFFFF80  }
0x165: {  	[tilespmem:s11], [sflag:$0x3] =	stream.linear.gather [hbm4b:s21+s1], $0x80, $0x200038;
	[tilespmem:$0x1C280] =	vst v63  }
0x166: {  	_ =	swait.ge [sflag:s31], $0x80  }
0x167: {  	[sflag:s31] =	ssyncset.done $0x0  }
0x168: {  	[sflag:s31] =	ssyncadd.s32 $0xFFFFFF80  }
0x169: {  	_ =	swait.ge [sflag:s12], $0x4000  }
0x16a: {  	[sflag:s12] =	ssyncset.done $0x0  }
0x16b: {  	[sflag:s12] =	ssyncadd.s32 $0xFFFFC000  }
0x16c: {  	[tilespmem:s0], [sflag:$0x2] =	stream.indirect.gather [hbm4b:s25+s20], $0x80, s20, s20, $0x2000b8;
	[tilespmem:$0x1C280] =	vst v63  }
0x16d: {  	_ = 	snop  }
0x16e: {  	[spmem:s22] =	stream.indirect.scatter.add.f32 [tilespmem:s10], [sflag:$0x3], $0x80, s9, s20, $0x2000b8;
	[tilespmem:$0x1C280] =	vst v63  }
0x16f: {  	_ =	swait.ge [sflag:s31], $0x4000  }
0x170: {  	[sflag:s31] =	ssyncset.done $0x0  }
0x171: {  	[sflag:s31] =	ssyncadd.s32 $0xFFFFC000  }
0x172: {  	[tilespmem:s1], [sflag:$0x3] =	stream.linear.gather [hbm4b:s2+s1], $0x80, $0x200038;
	[tilespmem:$0x1C280] =	vst v63  }
0x173: {  	_ =	swait.ge [sflag:s31], $0x80  }
0x174: {  	[sflag:s31] =	ssyncset.done $0x0  }
0x175: {  	[sflag:s31] =	ssyncadd.s32 $0xFFFFFF80  }
0x176: {  	[tilespmem:s9], [sflag:$0x3] =	stream.linear.gather [hbm4b:s3+s1], $0x80, $0x200038;
	[tilespmem:$0x1C280] =	vst v63  }
0x177: {  	_ =	swait.ge [sflag:s31], $0x80  }
0x178: {  	[sflag:s31] =	ssyncset.done $0x0  }
0x179: {  	[sflag:s31] =	ssyncadd.s32 $0xFFFFFF80  }
0x17a: {  	[tilespmem:s10], [sflag:$0x1] =	stream.indirect.gather [hbm4b:s25+s20], $0x80, s1, s20, $0x2000b8;
	[tilespmem:$0x1C280] =	vst v63  }
0x17b: {  	_ =	swait.ge [sflag:s13], $0x4000  }
0x17c: {  	[sflag:s13] =	ssyncset.done $0x0  }
0x17d: {  	[sflag:s13] =	ssyncadd.s32 $0xFFFFC000  }
0x17e: {  	[spmem:s22] =	stream.indirect.scatter.add.f32 [tilespmem:s0], [sflag:$0x3], $0x80, s11, s20, $0x2000b8;
	[tilespmem:$0x1C280] =	vst v63  }
0x17f: {  	_ =	swait.ge [sflag:s31], $0x4000  }
0x180: {  	[sflag:s31] =	ssyncset.done $0x0  }
0x181: {  	[sflag:s31] =	ssyncadd.s32 $0xFFFFC000  }
0x182: {  	_ =	swait.ge [sflag:s12], $0x4000  }
0x183: {  	[sflag:s12] =	ssyncset.done $0x0  }
0x184: {  	[sflag:s12] =	ssyncadd.s32 $0xFFFFC000  }
0x185: {  	_ =	strace $0x9000004C  }
0x186: {  	[bflag:$0x0] =	sbarrier.arrive $0xFFFF  }
0x187: {  	_ =	strace $0x8000004D  }
0x188: {  	[tilespmem:s30], [sflag:$0x3] =	stream.linear.gather [hbm4b:s4+s1], $0x80, $0x200038;
	[tilespmem:$0x1C280] =	vst v63  }
0x189: {  	_ =	swait.ge [sflag:s31], $0x80  }
0x18a: {  	[sflag:s31] =	ssyncset.done $0x0  }
0x18b: {  	[sflag:s31] =	ssyncadd.s32 $0xFFFFFF80  }
0x18c: {  	[tilespmem:s10], [sflag:$0x3] =	stream.indirect.gather [spmem:s22], $0x80, s30, s20, $0x2000b8;
	[tilespmem:$0x1C280] =	vst v63  }
0x18d: {  	_ =	swait.ge [sflag:s31], $0x4000  }
0x18e: {  	[sflag:s31] =	ssyncset.done $0x0  }
0x18f: {  	s19 =	rddreg [dreg:$0x9];
	[sflag:s31] =	ssyncadd.s32 $0xFFFFC000  }
0x190: {  	[hbm4b:s19+s1] =	stream.linear.scatter [tilespmem:s10], [sflag:$0x3], $0x4000, $0x200038;
	[tilespmem:$0x1C280] =	vst v63  }
0x191: {  	_ =	swait.ge [sflag:s31], $0x4000  }
0x192: {  	[sflag:s31] =	ssyncset.done $0x0  }
0x193: {  	[sflag:s31] =	ssyncadd.s32 $0xFFFFC000  }
0x194: {  	[tilespmem:s30], [sflag:$0x3] =	stream.linear.gather [hbm4b:s5+s1], $0x80, $0x200038;
	[tilespmem:$0x1C280] =	vst v63  }
0x195: {  	_ =	swait.ge [sflag:s31], $0x80  }
0x196: {  	[sflag:s31] =	ssyncset.done $0x0  }
0x197: {  	[sflag:s31] =	ssyncadd.s32 $0xFFFFFF80  }
0x198: {  	[tilespmem:s10], [sflag:$0x3] =	stream.indirect.gather [spmem:s22], $0x80, s30, s20, $0x2000b8;
	[tilespmem:$0x1C280] =	vst v63  }
0x199: {  	_ =	swait.ge [sflag:s31], $0x4000  }
0x19a: {  	[sflag:s31] =	ssyncset.done $0x0  }
0x19b: {  	s16 =	rddreg [dreg:$0xa];
	[sflag:s31] =	ssyncadd.s32 $0xFFFFC000  }
0x19c: {  	[hbm4b:s16+s1] =	stream.linear.scatter [tilespmem:s10], [sflag:$0x3], $0x4000, $0x200038;
	[tilespmem:$0x1C280] =	vst v63  }
0x19d: {  	_ =	swait.ge [sflag:s31], $0x4000  }
0x19e: {  	[sflag:s31] =	ssyncset.done $0x0  }
0x19f: {  	[sflag:s31] =	ssyncadd.s32 $0xFFFFC000  }
0x1a0: {  	[tilespmem:s30], [sflag:$0x3] =	stream.linear.gather [hbm4b:s6+s1], $0x80, $0x200038;
	[tilespmem:$0x1C280] =	vst v63  }
0x1a1: {  	_ =	swait.ge [sflag:s31], $0x80  }
0x1a2: {  	[sflag:s31] =	ssyncset.done $0x0  }
0x1a3: {  	[sflag:s31] =	ssyncadd.s32 $0xFFFFFF80  }
0x1a4: {  	[tilespmem:s10], [sflag:$0x3] =	stream.indirect.gather [spmem:s22], $0x80, s30, s20, $0x2000b8;
	[tilespmem:$0x1C280] =	vst v63  }
0x1a5: {  	_ =	swait.ge [sflag:s31], $0x4000  }
0x1a6: {  	[sflag:s31] =	ssyncset.done $0x0  }
0x1a7: {  	s17 =	rddreg [dreg:$0xb];
	[sflag:s31] =	ssyncadd.s32 $0xFFFFC000  }
0x1a8: {  	[hbm4b:s17+s1] =	stream.linear.scatter [tilespmem:s10], [sflag:$0x3], $0x4000, $0x200038;
	[tilespmem:$0x1C280] =	vst v63  }
0x1a9: {  	_ =	swait.ge [sflag:s31], $0x4000  }
0x1aa: {  	[sflag:s31] =	ssyncset.done $0x0  }
0x1ab: {  	[sflag:s31] =	ssyncadd.s32 $0xFFFFC000  }
0x1ac: {  	[tilespmem:s30], [sflag:$0x3] =	stream.linear.gather [hbm4b:s7+s1], $0x80, $0x200038;
	[tilespmem:$0x1C280] =	vst v63  }
0x1ad: {  	_ =	swait.ge [sflag:s31], $0x80  }
0x1ae: {  	[sflag:s31] =	ssyncset.done $0x0  }
0x1af: {  	[sflag:s31] =	ssyncadd.s32 $0xFFFFFF80  }
0x1b0: {  	[tilespmem:s10], [sflag:$0x3] =	stream.indirect.gather [spmem:s22], $0x80, s30, s20, $0x2000b8;
	[tilespmem:$0x1C280] =	vst v63  }
0x1b1: {  	_ =	swait.ge [sflag:s31], $0x4000  }
0x1b2: {  	[sflag:s31] =	ssyncset.done $0x0  }
0x1b3: {  	s18 =	rddreg [dreg:$0xc];
	[sflag:s31] =	ssyncadd.s32 $0xFFFFC000  }
0x1b4: {  	[hbm4b:s18+s1] =	stream.linear.scatter [tilespmem:s10], [sflag:$0x3], $0x4000, $0x200038;
	[tilespmem:$0x1C280] =	vst v63  }
0x1b5: {  	_ =	swait.ge [sflag:s31], $0x4000  }
0x1b6: {  	[sflag:s31] =	ssyncset.done $0x0  }
0x1b7: {  	[sflag:s31] =	ssyncadd.s32 $0xFFFFC000  }
0x1b8: {  	[tilespmem:s30], [sflag:$0x3] =	stream.linear.gather [hbm4b:s8+s1], $0x80, $0x200038;
	[tilespmem:$0x1C280] =	vst v63  }
0x1b9: {  	_ =	swait.ge [sflag:s31], $0x80  }
0x1ba: {  	[sflag:s31] =	ssyncset.done $0x0  }
0x1bb: {  	[sflag:s31] =	ssyncadd.s32 $0xFFFFFF80  }
0x1bc: {  	[tilespmem:s10], [sflag:$0x3] =	stream.indirect.gather [spmem:s22], $0x80, s30, s20, $0x2000b8;
	[tilespmem:$0x1C280] =	vst v63  }
0x1bd: {  	_ =	swait.ge [sflag:s31], $0x4000  }
0x1be: {  	s14 =	sadd.s32 $0x1, s14;
	[sflag:s31] =	ssyncset.done $0x0  }
0x1bf: {  	p0 =	sne.s32 s14, s26;
	s19 =	rddreg [dreg:$0xd];
	[sflag:s31] =	ssyncadd.s32 $0xFFFFC000  }
0x1c0: {  	[hbm4b:s19+s1] =	stream.linear.scatter [tilespmem:s10], [sflag:$0x3], $0x4000, $0x200038;
	[tilespmem:$0x1C280] =	vst v63  }
.Ltmp3:
0x1c1: {  	_ = 	snop;
	(pc) =	sbr.rel @p0 .LBB2_1-.Ltmp3, $4  }
0x1c2: {  	_ =	swait.ge [sflag:s31], $0x4000  }
0x1c3: {  	[sflag:s31] =	ssyncset.done $0x0  }
0x1c4: {  	[sflag:s31] =	ssyncadd.s32 $0xFFFFC000  }
0x1c5: {  	_ =	strace $0x9000004D  }
0x1c6: {  	_ =	sfence.sel $0x180000  }
0x1c7: {  	[bflag:$0x0] =	sbarrier.arrive $0xFFFF  }
0x1c8: {  	_ =	strace $0x90000047  }
0x1c9: {  	s0 =	stileid.u32;
	[bflag:$0x2] =	sbarrier.arrive $0xFFFF  }
0x1ca: {  	p0 =	sne.s32 s0, $0x0;
	s0 =	rddreg [dreg:$0x3]  }
0x1cb: {  	s0 =	sadd.s32 @!p0 $0x100000, s0  }
0x1cc: {  	[sflag:s0] =	ssyncadd.tile.s32 @!p0 $0x1;
	_ =	shalt  }
.Lfunc_end2:
_tile_overlayer_lowered:
.L_overlay_start_2:
0x1cd: {  	(tag) =	ssettag $0x2  }
0x1ce: {  	s0 =	rddreg [dreg:$0x0];
	s2 =	stileid.u32  }
0x1cf: {  	s1 =	rddreg [dreg:$0x1];
	p0 =	sne.s32 s2, $0x0  }
0x1d0: {  	s3 =	rddreg [dreg:$0x2];
	[bflag:$0x3] =	sbarrier.arrive $0xFFFF;
	s2 =	simm.s32 @!p0 $0x1C03  }
0x1d1: {  	[timem:s3], [sflag:s2] =	dma.local @!p0 [hbm:s0], s1  }
0x1d2: {  	s0 =	simm.s32 @!p0 $0x3  }
0x1d3: {  	_ =	swait.ge @!p0 [sflag:s0], s1  }
0x1d4: {  	s1 =	ssub.s32 @!p0 $0x0, s1;
	[sflag:s0] =	ssyncset.done @!p0 $0x0  }
0x1d5: {  	[sflag:s0] =	ssyncadd.s32 @!p0 s1  }
0x1d6: {  	[bflag:$0x3] =	sbarrier.arrive $0xFFFF  }
0x1d7: {  	_ =	shalt  }

</sc_bundles>
